<compile_context>
chip_gen: v7x
topology: tpu7x:2x2x1
jax: 0.10.2.dev20260603
libtpu: 0.0.44.dev20260713+nightly
codegen_flags: <defaults>
</compile_context>

<pallas_src>
import functools

import jax
import jax.numpy as jnp
from jax import lax
from jax.experimental import pallas as pl
from jax.experimental.pallas import tpu as pltpu
from jax.experimental.pallas import tpu_sc as plsc

NC, NS = 2, 16
NW = NC * NS
L = 16
CH = 128

N = 10000
NPAD = 10240
E = 320000
EPW = NPAD
NCHUNK = EPW // CH
EPAD = NW * EPW
D = 128
H = 64
B = 4096
BPT = B // NS
ROWS_PT = NPAD // NS
MROWS_PT = N // NS
RBLK = 2000


def _fill1d(ref, val, n):
    def st(i, _):
        ref[pl.ds(i * L, L)] = jnp.full((L,), val, jnp.float32)
        return 0
    lax.fori_loop(0, n // L, st, 0)


def _deg_body(ei_hbm, deg0_hbm, deg1_hbm, idx_v, ones_v, zbuf_v, deg_sh, sem):
    c = lax.axis_index("c")
    sid = lax.axis_index("s")
    wid = c * NS + sid
    _fill1d(ones_v, 1.0, CH)
    _fill1d(zbuf_v, 0.0, CH)

    pltpu.async_copy(ei_hbm.at[1].at[wid], idx_v, sem)

    def zs(t, _):
        pltpu.sync_copy(zbuf_v, deg_sh.at[pl.ds(sid * ROWS_PT + t * CH, CH)])
        return 0
    lax.fori_loop(0, ROWS_PT // CH, zs, 0)
    pltpu.make_async_copy(ei_hbm.at[1].at[wid], idx_v, sem).wait()
    plsc.subcore_barrier()

    def scat(j, _):
        pltpu.async_copy(ones_v, deg_sh.at[idx_v.at[j]], sem, add=True)

        @pl.when(j >= 4)
        def _():
            pltpu.make_async_copy(ones_v, deg_sh.at[idx_v.at[0]], sem).wait()
        return 0
    lax.fori_loop(0, NCHUNK, scat, 0)

    def drain(j, _):
        pltpu.make_async_copy(ones_v, deg_sh.at[idx_v.at[0]], sem).wait()
        return 0
    lax.fori_loop(0, 4, drain, 0)
    plsc.subcore_barrier()

    sl = pl.ds(sid * ROWS_PT, ROWS_PT)

    @pl.when(c == 0)
    def _():
        pltpu.sync_copy(deg_sh.at[sl], deg0_hbm.at[sl])

    @pl.when(c == 1)
    def _():
        pltpu.sync_copy(deg_sh.at[sl], deg1_hbm.at[sl])


def _scat_body(ei_hbm, xr_hbm, m_hbm, deg0_hbm, deg1_hbm,
               g0_hbm, g1_hbm, dsum_hbm,
               ridx_v, cidx_v, x_v, buf_v, gbuf_v,
               dbuf_v, dbuf2_v, s_sh, m_sh, semg, sems):
    c = lax.axis_index("c")
    sid = lax.axis_index("s")
    wid = c * NS + sid

    def zrow(i, _):
        def zc(k, _):
            buf_v[0, i, pl.ds(k * 2 * L, 2 * L)] = jnp.zeros((2 * L,), jnp.bfloat16)
            return 0
        lax.fori_loop(0, H // (2 * L), zc, 0)
        return 0
    lax.fori_loop(0, CH, zrow, 0)

    msl = pl.ds(sid * MROWS_PT, MROWS_PT)
    pltpu.async_copy(m_hbm.at[msl], m_sh.at[msl], semg)
    pltpu.async_copy(ei_hbm.at[0].at[wid], ridx_v, semg)
    pltpu.async_copy(ei_hbm.at[1].at[wid], cidx_v, semg)
    pltpu.async_copy(xr_hbm.at[sid], x_v, semg)

    def zs(t, _):
        pltpu.async_copy(buf_v.at[0], s_sh.at[pl.ds(sid * ROWS_PT + t * CH, CH)],
                         sems)

        @pl.when(t >= 3)
        def _():
            pltpu.make_async_copy(buf_v.at[0], s_sh.at[pl.ds(sid * ROWS_PT, CH)],
                                  sems).wait()
        return 0
    lax.fori_loop(0, ROWS_PT // CH, zs, 0)

    pltpu.make_async_copy(m_hbm.at[msl], m_sh.at[msl], semg).wait()
    pltpu.make_async_copy(ei_hbm.at[0].at[wid], ridx_v, semg).wait()
    pltpu.make_async_copy(ei_hbm.at[1].at[wid], cidx_v, semg).wait()
    pltpu.make_async_copy(xr_hbm.at[sid], x_v, semg).wait()

    def zdrain(t, _):
        pltpu.make_async_copy(buf_v.at[0], s_sh.at[pl.ds(sid * ROWS_PT, CH)],
                              sems).wait()
        return 0
    lax.fori_loop(0, 3, zdrain, 0)
    plsc.subcore_barrier()

    pltpu.async_copy(m_sh.at[ridx_v.at[0]], buf_v.at[0], semg)
    pltpu.async_copy(m_sh.at[ridx_v.at[1]], buf_v.at[1], semg)

    def ed(j, _):
        @pl.when(j >= 2)
        def _():
            pltpu.make_async_copy(buf_v.at[0], s_sh.at[cidx_v.at[0]], sems).wait()

        @pl.when(j + 2 < NCHUNK)
        def _():
            p2 = lax.rem(j + 2, 4)
            pltpu.async_copy(m_sh.at[ridx_v.at[j + 2]], buf_v.at[p2], semg)
        p = lax.rem(j, 4)
        pltpu.make_async_copy(m_sh.at[ridx_v.at[0]], buf_v.at[p], semg).wait()
        pltpu.async_copy(buf_v.at[p], s_sh.at[cidx_v.at[j]], sems, add=True)
        return 0
    lax.fori_loop(0, NCHUNK, ed, 0)
    pltpu.make_async_copy(buf_v.at[0], s_sh.at[cidx_v.at[0]], sems).wait()
    pltpu.make_async_copy(buf_v.at[1], s_sh.at[cidx_v.at[1]], sems).wait()
    plsc.subcore_barrier()

    NK = BPT // CH
    for k in range(NK):
        pltpu.async_copy(s_sh.at[x_v.at[k]], gbuf_v.at[k], semg)

    @pl.when(c == 0)
    def _():
        for k in range(NK):
            pltpu.async_copy(m_sh.at[x_v.at[k]], buf_v.at[k], semg)
        for k in range(NK):
            pltpu.make_async_copy(s_sh.at[x_v.at[k]], gbuf_v.at[k], semg).wait()
            pltpu.make_async_copy(m_sh.at[x_v.at[k]], buf_v.at[k], semg).wait()

        def addr(r, _):
            for k in range(NK):
                def addc(kk, _):
                    sl = pl.ds(kk * 2 * L, 2 * L)
                    gbuf_v[k, r, sl] = gbuf_v[k, r, sl] + buf_v[k, r, sl]
                    return 0
                lax.fori_loop(0, H // (2 * L), addc, 0)
            return 0
        lax.fori_loop(0, CH, addr, 0)
        for k in range(NK):
            pltpu.sync_copy(gbuf_v.at[k], g0_hbm.at[pl.ds(sid * BPT + k * CH, CH)])

    @pl.when(c == 1)
    def _():
        for k in range(NK):
            pltpu.async_copy(deg0_hbm.at[x_v.at[k]], dbuf_v.at[k], sems)
            pltpu.async_copy(deg1_hbm.at[x_v.at[k]], dbuf2_v.at[k], sems)
        for k in range(NK):
            pltpu.make_async_copy(s_sh.at[x_v.at[k]], gbuf_v.at[k], semg).wait()
            pltpu.make_async_copy(deg0_hbm.at[x_v.at[k]], dbuf_v.at[k], sems).wait()
            pltpu.make_async_copy(deg1_hbm.at[x_v.at[k]], dbuf2_v.at[k], sems).wait()

        def addd(kk, _):
            sl = pl.ds(kk * L, L)
            for k in range(NK):
                dbuf_v[k, sl] = dbuf_v[k, sl] + dbuf2_v[k, sl]
            return 0
        lax.fori_loop(0, CH // L, addd, 0)
        for k in range(NK):
            osl = pl.ds(sid * BPT + k * CH, CH)
            pltpu.sync_copy(gbuf_v.at[k], g1_hbm.at[osl])
            pltpu.sync_copy(dbuf_v.at[k], dsum_hbm.at[osl])


def _mm_body(f_ref, w_ref, d0_ref, d1_ref, m_ref):
    dinv = lax.rsqrt(1.0 + d0_ref[...] + d1_ref[...])
    h = jnp.dot(f_ref[...], w_ref[...], preferred_element_type=jnp.float32)
    m_ref[...] = (dinv * h).astype(jnp.bfloat16)


def _fin_body(g0_ref, g1_ref, ds_ref, b_ref, o_ref):
    scale = lax.rsqrt(1.0 + ds_ref[...])
    g = g0_ref[...].astype(jnp.float32) + g1_ref[...].astype(jnp.float32)
    o_ref[...] = scale * g + b_ref[...]


def kernel(x, features, edge_index, W, b):
    ei_p = jnp.pad(edge_index, ((0, 0), (0, EPAD - E)),
                   constant_values=N).reshape(2, NW, NCHUNK, CH)
    xr = x.reshape(NS, BPT // CH, CH)

    mesh = plsc.VectorSubcoreMesh(core_axis_name="c", subcore_axis_name="s",
                                  num_cores=NC, num_subcores=NS)
    sc_params = pltpu.CompilerParams(use_tc_tiling_on_sc=False)

    deg_call = pl.kernel(
        _deg_body,
        out_type=[jax.ShapeDtypeStruct((NPAD,), jnp.float32),
                  jax.ShapeDtypeStruct((NPAD,), jnp.float32)],
        mesh=mesh,
        scratch_types=[
            pltpu.VMEM((NCHUNK, CH), jnp.int32),
            pltpu.VMEM((CH,), jnp.float32),
            pltpu.VMEM((CH,), jnp.float32),
            pltpu.VMEM_SHARED((NPAD,), jnp.float32),
            pltpu.SemaphoreType.DMA,
        ],
        compiler_params=sc_params,
    )
    deg0, deg1 = deg_call(ei_p)

    m = pl.pallas_call(
        _mm_body,
        grid=(N // RBLK,),
        in_specs=[
            pl.BlockSpec((RBLK, D), lambda i: (i, 0)),
            pl.BlockSpec((D, H), lambda i: (0, 0)),
            pl.BlockSpec((RBLK, 1), lambda i: (i, 0)),
            pl.BlockSpec((RBLK, 1), lambda i: (i, 0)),
        ],
        out_specs=pl.BlockSpec((RBLK, H), lambda i: (i, 0)),
        out_shape=jax.ShapeDtypeStruct((N, H), jnp.bfloat16),
    )(features, W, deg0[:N].reshape(N, 1), deg1[:N].reshape(N, 1))

    scat_call = pl.kernel(
        _scat_body,
        out_type=[jax.ShapeDtypeStruct((B, H), jnp.bfloat16),
                  jax.ShapeDtypeStruct((B, H), jnp.bfloat16),
                  jax.ShapeDtypeStruct((B,), jnp.float32)],
        mesh=mesh,
        scratch_types=[
            pltpu.VMEM((NCHUNK, CH), jnp.int32),
            pltpu.VMEM((NCHUNK, CH), jnp.int32),
            pltpu.VMEM((BPT // CH, CH), jnp.int32),
            pltpu.VMEM((4, CH, H), jnp.bfloat16),
            pltpu.VMEM((BPT // CH, CH, H), jnp.bfloat16),
            pltpu.VMEM((BPT // CH, CH), jnp.float32),
            pltpu.VMEM((BPT // CH, CH), jnp.float32),
            pltpu.VMEM_SHARED((NPAD, H), jnp.bfloat16),
            pltpu.VMEM_SHARED((NPAD, H), jnp.bfloat16),
            pltpu.SemaphoreType.DMA,
            pltpu.SemaphoreType.DMA,
        ],
        compiler_params=sc_params,
    )
    g0, g1, dsum = scat_call(ei_p, xr, m, deg0, deg1)

    out = pl.pallas_call(
        _fin_body,
        out_shape=jax.ShapeDtypeStruct((B, H), jnp.float32),
    )(g0, g1, dsum.reshape(B, 1), b.reshape(1, H))
    return out

# --- scband reference (transcript-rebuilt; emitter-appended) ---
"""Pipeline reference for scband-gce-50654844289076 (READ-ONLY COPY).

The authoritative reference and input builder live on the scoring server;
editing this copy changes nothing except your own understanding.
"""

import jax, jax.numpy as jnp
import numpy as np

N_NODES = 10000
N_EDGES = 320000
D_FEAT = 128
EMBED_DIM = 64
BATCH = 4096


def setup_inputs(seed: int = 0) -> dict:
    key = jax.random.key(seed)
    k1, k2, k3, k4 = jax.random.split(key, 4)
    x = jax.random.randint(k1, (BATCH,), 0, N_NODES, dtype=jnp.int32)
    features = jax.random.normal(k2, (N_NODES, D_FEAT), dtype=jnp.float32)
    edge_index = jax.random.randint(k3, (2, N_EDGES), 0, N_NODES, dtype=jnp.int32)
    # GCNConv learned params (Glorot-ish weight, zero bias)
    W = jax.random.normal(k4, (D_FEAT, EMBED_DIM), dtype=jnp.float32) * (1.0 / np.sqrt(D_FEAT))
    b = jnp.zeros((EMBED_DIM,), dtype=jnp.float32)
    return {"x": x, "features": features, "edge_index": edge_index, "W": W, "b": b}


def reference(x, features, edge_index, W, b):
    # Faithful GCNConv (PyG semantics, add_self_loops=True, symmetric gcn_norm)
    N = features.shape[0]
    row = edge_index[0]
    col = edge_index[1]
    loop = jnp.arange(N, dtype=row.dtype)
    row = jnp.concatenate([row, loop])
    col = jnp.concatenate([col, loop])
    edge_weight = jnp.ones(row.shape[0], dtype=features.dtype)
    # in-degree over destination (col), as in PyG gcn_norm
    deg = jnp.zeros((N,), dtype=features.dtype).at[col].add(edge_weight)
    deg_inv_sqrt = jnp.where(deg > 0, 1.0 / jnp.sqrt(deg), 0.0)
    norm = deg_inv_sqrt[row] * edge_weight * deg_inv_sqrt[col]
    # linear transform then propagate (source_to_target)
    h = features @ W
    msg = h[row] * norm[:, None]
    out = jnp.zeros((N, h.shape[1]), dtype=h.dtype).at[col].add(msg)
    out = out + b
    # GCE.forward: index node embeddings by batch of ids
    return out[x]

if __name__ == "__main__":
    import jax
    _d = setup_inputs()
    print(jax.jit(kernel)(*tuple(_d.values())))

</pallas_src>

<mosaic_0001>
#map = affine_map<(d0, d1) -> (0, 0, 0, 0)>
#map1 = affine_map<(d0, d1) -> (0)>
module attributes {stable_mosaic.version = 14 : i64} {
  func.func @_deg_body(%arg0: i32, %arg1: i32, %arg2: memref<2x32x80x128xi32, #tpu.memory_space<hbm>>, %arg3: memref<10240xf32, #tpu.memory_space<hbm>>, %arg4: memref<10240xf32, #tpu.memory_space<hbm>>, %arg5: memref<80x128xi32, #tpu.memory_space<vmem>>, %arg6: memref<128xf32, #tpu.memory_space<vmem>>, %arg7: memref<128xf32, #tpu.memory_space<vmem>>, %arg8: memref<10240xf32, #tpu.memory_space<vmem_shared>>, %arg9: memref<!tpu.dma_semaphore, #tpu.memory_space<semaphore_mem>>) attributes {dimension_semantics = [#tpu.dimension_semantics<core_parallel>, #tpu.dimension_semantics<subcore_parallel>], iteration_bounds = array<i64: 2, 16>, scalar_prefetch = 0 : i64, scratch_operands = 5 : i64, tpu.core_type = #tpu.core_type<sc_vector_subcore>, window_params = [{transform_indices = #map}, {transform_indices = #map1}, {transform_indices = #map1}]} {
    %mul3A = arith.constant 16 : i32
    %mul3A_0 = arith.muli %arg0, %mul3A : i32
    %add3A = arith.addi %mul3A_0, %arg1 : i32
    %scan3A = arith.constant 0 : i32
    %scan3A_1 = arith.constant 0 : i32
    %scan3A_2 = arith.constant 8 : i32
    %scan3A_3 = arith.addi %scan3A_1, %scan3A_2 : i32
    %scan3A_4 = arith.constant 1 : i32
    %scan3A_5 = scf.for %scan3A_81 = %scan3A_1 to %scan3A_3 step %scan3A_4 iter_args(%scan3A_82 = %scan3A) -> (i32)  : i32 {
      %broadcast_in_dim3A = arith.constant 1.000000e+00 : f32
      %broadcast_in_dim3A_83 = vector.broadcast %broadcast_in_dim3A : f32 to vector<16xf32>
      %mul3A_84 = arith.constant 16 : i32
      %mul3A_85 = arith.muli %scan3A_81, %mul3A_84 : i32
      %swap3A = arith.index_cast %mul3A_85 : i32 to index
      %swap3A_86 = tpu.vector_load %arg6[%swap3A] {strides = array<i32>} : memref<128xf32, #tpu.memory_space<vmem>>, vector<16xf32>,
      %swap3A_87 = vector.shape_cast %swap3A_86 : vector<16xf32> to vector<16xf32>
      %swap3A_88 = vector.shape_cast %broadcast_in_dim3A_83 : vector<16xf32> to vector<16xf32>
      tpu.vector_store %arg6[%swap3A], %swap3A_88 {strides = array<i32>} : memref<128xf32, #tpu.memory_space<vmem>>, vector<16xf32>,
      %scan3A_89 = arith.constant 0 : i32
      scf.yield %scan3A_89 : i32
    }
    %scan3A_6 = arith.constant 8 : i32
    %scan3A_7 = arith.constant 0 : i32
    %scan3A_8 = arith.constant 0 : i32
    %scan3A_9 = arith.constant 8 : i32
    %scan3A_10 = arith.addi %scan3A_8, %scan3A_9 : i32
    %scan3A_11 = arith.constant 1 : i32
    %scan3A_12 = scf.for %scan3A_81 = %scan3A_8 to %scan3A_10 step %scan3A_11 iter_args(%scan3A_82 = %scan3A_7) -> (i32)  : i32 {
      %broadcast_in_dim3A = arith.constant 0.000000e+00 : f32
      %broadcast_in_dim3A_83 = vector.broadcast %broadcast_in_dim3A : f32 to vector<16xf32>
      %mul3A_84 = arith.constant 16 : i32
      %mul3A_85 = arith.muli %scan3A_81, %mul3A_84 : i32
      %swap3A = arith.index_cast %mul3A_85 : i32 to index
      %swap3A_86 = tpu.vector_load %arg7[%swap3A] {strides = array<i32>} : memref<128xf32, #tpu.memory_space<vmem>>, vector<16xf32>,
      %swap3A_87 = vector.shape_cast %swap3A_86 : vector<16xf32> to vector<16xf32>
      %swap3A_88 = vector.shape_cast %broadcast_in_dim3A_83 : vector<16xf32> to vector<16xf32>
      tpu.vector_store %arg7[%swap3A], %swap3A_88 {strides = array<i32>} : memref<128xf32, #tpu.memory_space<vmem>>, vector<16xf32>,
      %scan3A_89 = arith.constant 0 : i32
      scf.yield %scan3A_89 : i32
    }
    %scan3A_13 = arith.constant 8 : i32
    %dma_start3A = arith.constant 1 : i32
    %dma_start3A_14 = arith.constant 0 : i32
    %dma_start3A_15 = arith.constant 0 : i32
    %dma_start3A_16 = arith.constant 0 : i32
    %dma_start3A_17 = tpu.memref_slice %arg2[%dma_start3A, %dma_start3A_14, %dma_start3A_15, %dma_start3A_16] : memref<2x32x80x128xi32, #tpu.memory_space<hbm>> -> memref<1x32x80x128xi32, #tpu.memory_space<hbm>>
    %dma_start3A_18 = tpu.memref_squeeze %dma_start3A_17 : memref<1x32x80x128xi32, #tpu.memory_space<hbm>> -> memref<32x80x128xi32, #tpu.memory_space<hbm>>
    %dma_start3A_19 = arith.constant 0 : i32
    %dma_start3A_20 = arith.constant 0 : i32
    %dma_start3A_21 = tpu.memref_slice %dma_start3A_18[%add3A, %dma_start3A_19, %dma_start3A_20] : memref<32x80x128xi32, #tpu.memory_space<hbm>> -> memref<1x80x128xi32, #tpu.memory_space<hbm>>
    %dma_start3A_22 = tpu.memref_squeeze %dma_start3A_21 : memref<1x80x128xi32, #tpu.memory_space<hbm>> -> memref<80x128xi32, #tpu.memory_space<hbm>>
    %dma_start3A_23 = arith.constant 0 : i32
    %dma_start3A_24 = arith.constant 0 : i32
    %dma_start3A_25 = arith.constant 0 : i32
    %dma_start3A_26 = tpu.memref_slice %arg2[%dma_start3A, %dma_start3A_23, %dma_start3A_24, %dma_start3A_25] : memref<2x32x80x128xi32, #tpu.memory_space<hbm>> -> memref<1x32x80x128xi32, #tpu.memory_space<hbm>>
    %dma_start3A_27 = tpu.memref_squeeze %dma_start3A_26 : memref<1x32x80x128xi32, #tpu.memory_space<hbm>> -> memref<32x80x128xi32, #tpu.memory_space<hbm>>
    %dma_start3A_28 = arith.constant 0 : i32
    %dma_start3A_29 = arith.constant 0 : i32
    %dma_start3A_30 = tpu.memref_slice %dma_start3A_27[%add3A, %dma_start3A_28, %dma_start3A_29] : memref<32x80x128xi32, #tpu.memory_space<hbm>> -> memref<1x80x128xi32, #tpu.memory_space<hbm>>
    %dma_start3A_31 = tpu.memref_squeeze %dma_start3A_30 : memref<1x80x128xi32, #tpu.memory_space<hbm>> -> memref<80x128xi32, #tpu.memory_space<hbm>>
    tpu.enqueue_dma source(%dma_start3A_31 : memref<80x128xi32, #tpu.memory_space<hbm>>) target(%arg5 : memref<80x128xi32, #tpu.memory_space<vmem>>) target_semaphore(%arg9 : memref<!tpu.dma_semaphore, #tpu.memory_space<semaphore_mem>>)
    %scan3A_32 = arith.constant 0 : i32
    %scan3A_33 = arith.constant 0 : i32
    %scan3A_34 = arith.constant 5 : i32
    %scan3A_35 = arith.addi %scan3A_33, %scan3A_34 : i32
    %scan3A_36 = arith.constant 1 : i32
    %scan3A_37 = scf.for %scan3A_81 = %scan3A_33 to %scan3A_35 step %scan3A_36 iter_args(%scan3A_82 = %scan3A_32) -> (i32)  : i32 {
      %mul3A_83 = arith.constant 640 : i32
      %mul3A_84 = arith.muli %arg1, %mul3A_83 : i32
      %mul3A_85 = arith.constant 128 : i32
      %mul3A_86 = arith.muli %scan3A_81, %mul3A_85 : i32
      %add3A_87 = arith.addi %mul3A_84, %mul3A_86 : i32
      "tpu.region"() ({
        %run_scoped3A = tpu.sem_alloc : memref<!tpu.dma_semaphore, #tpu.memory_space<semaphore_mem>>
        %dma_start3A_89 = tpu.memref_slice %arg8[%add3A_87] : memref<10240xf32, #tpu.memory_space<vmem_shared>> -> memref<128xf32, #tpu.memory_space<vmem_shared>>
        %dma_start3A_90 = tpu.memref_slice %arg8[%add3A_87] : memref<10240xf32, #tpu.memory_space<vmem_shared>> -> memref<128xf32, #tpu.memory_space<vmem_shared>>
        tpu.enqueue_dma source(%arg7 : memref<128xf32, #tpu.memory_space<vmem>>) target(%dma_start3A_90 : memref<128xf32, #tpu.memory_space<vmem_shared>>) target_semaphore(%run_scoped3A : memref<!tpu.dma_semaphore, #tpu.memory_space<semaphore_mem>>)
        %dma_wait3A_91 = tpu.memref_slice %arg8[%add3A_87] : memref<10240xf32, #tpu.memory_space<vmem_shared>> -> memref<128xf32, #tpu.memory_space<vmem_shared>>
        %dma_wait3A_92 = tpu.memref_slice %arg8[%add3A_87] : memref<10240xf32, #tpu.memory_space<vmem_shared>> -> memref<128xf32, #tpu.memory_space<vmem_shared>>
        tpu.wait_dma2 semaphore(%run_scoped3A : memref<!tpu.dma_semaphore, #tpu.memory_space<semaphore_mem>>) src(%arg7 : memref<128xf32, #tpu.memory_space<vmem>>) dst(%dma_wait3A_92 : memref<128xf32, #tpu.memory_space<vmem_shared>>)
        tpu.yield
      }) : () -> ()
      %scan3A_88 = arith.constant 0 : i32
      scf.yield %scan3A_88 : i32
    }
    %scan3A_38 = arith.constant 5 : i32
    %dma_wait3A = arith.constant 1 : i32
    %dma_wait3A_39 = arith.constant 0 : i32
    %dma_wait3A_40 = arith.constant 0 : i32
    %dma_wait3A_41 = arith.constant 0 : i32
    %dma_wait3A_42 = tpu.memref_slice %arg2[%dma_wait3A, %dma_wait3A_39, %dma_wait3A_40, %dma_wait3A_41] : memref<2x32x80x128xi32, #tpu.memory_space<hbm>> -> memref<1x32x80x128xi32, #tpu.memory_space<hbm>>
    %dma_wait3A_43 = tpu.memref_squeeze %dma_wait3A_42 : memref<1x32x80x128xi32, #tpu.memory_space<hbm>> -> memref<32x80x128xi32, #tpu.memory_space<hbm>>
    %dma_wait3A_44 = arith.constant 0 : i32
    %dma_wait3A_45 = arith.constant 0 : i32
    %dma_wait3A_46 = tpu.memref_slice %dma_wait3A_43[%add3A, %dma_wait3A_44, %dma_wait3A_45] : memref<32x80x128xi32, #tpu.memory_space<hbm>> -> memref<1x80x128xi32, #tpu.memory_space<hbm>>
    %dma_wait3A_47 = tpu.memref_squeeze %dma_wait3A_46 : memref<1x80x128xi32, #tpu.memory_space<hbm>> -> memref<80x128xi32, #tpu.memory_space<hbm>>
    %dma_wait3A_48 = arith.constant 0 : i32
    %dma_wait3A_49 = arith.constant 0 : i32
    %dma_wait3A_50 = arith.constant 0 : i32
    %dma_wait3A_51 = tpu.memref_slice %arg2[%dma_wait3A, %dma_wait3A_48, %dma_wait3A_49, %dma_wait3A_50] : memref<2x32x80x128xi32, #tpu.memory_space<hbm>> -> memref<1x32x80x128xi32, #tpu.memory_space<hbm>>
    %dma_wait3A_52 = tpu.memref_squeeze %dma_wait3A_51 : memref<1x32x80x128xi32, #tpu.memory_space<hbm>> -> memref<32x80x128xi32, #tpu.memory_space<hbm>>
    %dma_wait3A_53 = arith.constant 0 : i32
    %dma_wait3A_54 = arith.constant 0 : i32
    %dma_wait3A_55 = tpu.memref_slice %dma_wait3A_52[%add3A, %dma_wait3A_53, %dma_wait3A_54] : memref<32x80x128xi32, #tpu.memory_space<hbm>> -> memref<1x80x128xi32, #tpu.memory_space<hbm>>
    %dma_wait3A_56 = tpu.memref_squeeze %dma_wait3A_55 : memref<1x80x128xi32, #tpu.memory_space<hbm>> -> memref<80x128xi32, #tpu.memory_space<hbm>>
    tpu.wait_dma2 semaphore(%arg9 : memref<!tpu.dma_semaphore, #tpu.memory_space<semaphore_mem>>) src(%dma_wait3A_56 : memref<80x128xi32, #tpu.memory_space<hbm>>) dst(%arg5 : memref<80x128xi32, #tpu.memory_space<vmem>>)
    %barrier3A = arith.constant 0 : index
    tpu.barrier barrier_id(%barrier3A)
    %scan3A_57 = arith.constant 0 : i32
    %scan3A_58 = arith.constant 0 : i32
    %scan3A_59 = arith.constant 80 : i32
    %scan3A_60 = arith.addi %scan3A_58, %scan3A_59 : i32
    %scan3A_61 = arith.constant 1 : i32
    %scan3A_62 = scf.for %scan3A_81 = %scan3A_58 to %scan3A_60 step %scan3A_61 iter_args(%scan3A_82 = %scan3A_57) -> (i32)  : i32 {
      %dma_start3A_83 = arith.constant 0 : i32
      %dma_start3A_84 = tpu.memref_slice %arg5[%scan3A_81, %dma_start3A_83] : memref<80x128xi32, #tpu.memory_space<vmem>> -> memref<1x128xi32, #tpu.memory_space<vmem>>
      %dma_start3A_85 = tpu.memref_squeeze %dma_start3A_84 : memref<1x128xi32, #tpu.memory_space<vmem>> -> memref<128xi32, #tpu.memory_space<vmem>>
      %dma_start3A_86 = arith.constant 0 : i32
      %dma_start3A_87 = tpu.memref_slice %arg8[%dma_start3A_86] : memref<10240xf32, #tpu.memory_space<vmem_shared>> -> memref<10240xf32, #tpu.memory_space<vmem_shared>>
      tpu.enqueue_indirect_dma source(%arg6 : memref<128xf32, #tpu.memory_space<vmem>>) target(%dma_start3A_87 : memref<10240xf32, #tpu.memory_space<vmem_shared>>) offsets(%dma_start3A_85 : memref<128xi32, #tpu.memory_space<vmem>>) semaphore(%arg9 : memref<!tpu.dma_semaphore, #tpu.memory_space<semaphore_mem>>) {add = true}
      %ge3A = arith.constant 4 : i32
      %ge3A_88 = arith.cmpi sge, %scan3A_81, %ge3A : i32
      %convert_element_type3A_89 = arith.extui %ge3A_88 : i1 to i32
      %cond3A_90 = arith.constant 0 : i32
      %cond3A_91 = arith.cmpi ne, %convert_element_type3A_89, %cond3A_90 : i32
      scf.if %cond3A_91 {
        %dma_wait3A_93 = arith.constant 0 : i32
        %dma_wait3A_94 = arith.constant 0 : i32
        %dma_wait3A_95 = tpu.memref_slice %arg5[%dma_wait3A_93, %dma_wait3A_94] : memref<80x128xi32, #tpu.memory_space<vmem>> -> memref<1x128xi32, #tpu.memory_space<vmem>>
        %dma_wait3A_96 = tpu.memref_squeeze %dma_wait3A_95 : memref<1x128xi32, #tpu.memory_space<vmem>> -> memref<128xi32, #tpu.memory_space<vmem>>
        %dma_wait3A_97 = arith.constant 0 : i32
        %dma_wait3A_98 = tpu.memref_slice %arg8[%dma_wait3A_97] : memref<10240xf32, #tpu.memory_space<vmem_shared>> -> memref<10240xf32, #tpu.memory_space<vmem_shared>>
        tpu.wait_indirect_dma semaphore(%arg9 : memref<!tpu.dma_semaphore, #tpu.memory_space<semaphore_mem>>) src(%arg6 : memref<128xf32, #tpu.memory_space<vmem>>) dst(%dma_wait3A_98 : memref<10240xf32, #tpu.memory_space<vmem_shared>>)
      } else {
      }
      %scan3A_92 = arith.constant 0 : i32
      scf.yield %scan3A_92 : i32
    }
    %scan3A_63 = arith.constant 80 : i32
    %scan3A_64 = arith.constant 0 : i32
    %scan3A_65 = arith.constant 0 : i32
    %scan3A_66 = arith.constant 4 : i32
    %scan3A_67 = arith.addi %scan3A_65, %scan3A_66 : i32
    %scan3A_68 = arith.constant 1 : i32
    %scan3A_69 = scf.for %scan3A_81 = %scan3A_65 to %scan3A_67 step %scan3A_68 iter_args(%scan3A_82 = %scan3A_64) -> (i32)  : i32 {
      %dma_wait3A_83 = arith.constant 0 : i32
      %dma_wait3A_84 = arith.constant 0 : i32
      %dma_wait3A_85 = tpu.memref_slice %arg5[%dma_wait3A_83, %dma_wait3A_84] : memref<80x128xi32, #tpu.memory_space<vmem>> -> memref<1x128xi32, #tpu.memory_space<vmem>>
      %dma_wait3A_86 = tpu.memref_squeeze %dma_wait3A_85 : memref<1x128xi32, #tpu.memory_space<vmem>> -> memref<128xi32, #tpu.memory_space<vmem>>
      %dma_wait3A_87 = arith.constant 0 : i32
      %dma_wait3A_88 = tpu.memref_slice %arg8[%dma_wait3A_87] : memref<10240xf32, #tpu.memory_space<vmem_shared>> -> memref<10240xf32, #tpu.memory_space<vmem_shared>>
      tpu.wait_indirect_dma semaphore(%arg9 : memref<!tpu.dma_semaphore, #tpu.memory_space<semaphore_mem>>) src(%arg6 : memref<128xf32, #tpu.memory_space<vmem>>) dst(%dma_wait3A_88 : memref<10240xf32, #tpu.memory_space<vmem_shared>>)
      %scan3A_89 = arith.constant 0 : i32
      scf.yield %scan3A_89 : i32
    }
    %scan3A_70 = arith.constant 4 : i32
    %barrier3A_71 = arith.constant 0 : index
    tpu.barrier barrier_id(%barrier3A_71)
    %mul3A_72 = arith.constant 640 : i32
    %mul3A_73 = arith.muli %arg1, %mul3A_72 : i32
    %eq3A = arith.constant 0 : i32
    %eq3A_74 = arith.cmpi eq, %arg0, %eq3A : i32
    %convert_element_type3A = arith.extui %eq3A_74 : i1 to i32
    %cond3A = arith.constant 0 : i32
    %cond3A_75 = arith.cmpi ne, %convert_element_type3A, %cond3A : i32
    scf.if %cond3A_75 {
      "tpu.region"() ({
        %run_scoped3A = tpu.sem_alloc : memref<!tpu.dma_semaphore, #tpu.memory_space<semaphore_mem>>
        %dma_start3A_81 = tpu.memref_slice %arg3[%mul3A_73] : memref<10240xf32, #tpu.memory_space<hbm>> -> memref<640xf32, #tpu.memory_space<hbm>>
        %dma_start3A_82 = tpu.memref_slice %arg8[%mul3A_73] : memref<10240xf32, #tpu.memory_space<vmem_shared>> -> memref<640xf32, #tpu.memory_space<vmem_shared>>
        tpu.enqueue_dma source(%dma_start3A_82 : memref<640xf32, #tpu.memory_space<vmem_shared>>) target(%dma_start3A_81 : memref<640xf32, #tpu.memory_space<hbm>>) target_semaphore(%run_scoped3A : memref<!tpu.dma_semaphore, #tpu.memory_space<semaphore_mem>>)
        %dma_wait3A_83 = tpu.memref_slice %arg3[%mul3A_73] : memref<10240xf32, #tpu.memory_space<hbm>> -> memref<640xf32, #tpu.memory_space<hbm>>
        %dma_wait3A_84 = tpu.memref_slice %arg8[%mul3A_73] : memref<10240xf32, #tpu.memory_space<vmem_shared>> -> memref<640xf32, #tpu.memory_space<vmem_shared>>
        tpu.wait_dma2 semaphore(%run_scoped3A : memref<!tpu.dma_semaphore, #tpu.memory_space<semaphore_mem>>) src(%dma_wait3A_84 : memref<640xf32, #tpu.memory_space<vmem_shared>>) dst(%dma_wait3A_83 : memref<640xf32, #tpu.memory_space<hbm>>)
        tpu.yield
      }) : () -> ()
    } else {
    }
    %eq3A_76 = arith.constant 1 : i32
    %eq3A_77 = arith.cmpi eq, %arg0, %eq3A_76 : i32
    %convert_element_type3A_78 = arith.extui %eq3A_77 : i1 to i32
    %cond3A_79 = arith.constant 0 : i32
    %cond3A_80 = arith.cmpi ne, %convert_element_type3A_78, %cond3A_79 : i32
    scf.if %cond3A_80 {
      "tpu.region"() ({
        %run_scoped3A = tpu.sem_alloc : memref<!tpu.dma_semaphore, #tpu.memory_space<semaphore_mem>>
        %dma_start3A_81 = tpu.memref_slice %arg4[%mul3A_73] : memref<10240xf32, #tpu.memory_space<hbm>> -> memref<640xf32, #tpu.memory_space<hbm>>
        %dma_start3A_82 = tpu.memref_slice %arg8[%mul3A_73] : memref<10240xf32, #tpu.memory_space<vmem_shared>> -> memref<640xf32, #tpu.memory_space<vmem_shared>>
        tpu.enqueue_dma source(%dma_start3A_82 : memref<640xf32, #tpu.memory_space<vmem_shared>>) target(%dma_start3A_81 : memref<640xf32, #tpu.memory_space<hbm>>) target_semaphore(%run_scoped3A : memref<!tpu.dma_semaphore, #tpu.memory_space<semaphore_mem>>)
        %dma_wait3A_83 = tpu.memref_slice %arg4[%mul3A_73] : memref<10240xf32, #tpu.memory_space<hbm>> -> memref<640xf32, #tpu.memory_space<hbm>>
        %dma_wait3A_84 = tpu.memref_slice %arg8[%mul3A_73] : memref<10240xf32, #tpu.memory_space<vmem_shared>> -> memref<640xf32, #tpu.memory_space<vmem_shared>>
        tpu.wait_dma2 semaphore(%run_scoped3A : memref<!tpu.dma_semaphore, #tpu.memory_space<semaphore_mem>>) src(%dma_wait3A_84 : memref<640xf32, #tpu.memory_space<vmem_shared>>) dst(%dma_wait3A_83 : memref<640xf32, #tpu.memory_space<hbm>>)
        tpu.yield
      }) : () -> ()
    } else {
    }
    return
  }
}

#map = affine_map<(d0, d1) -> (0, 0, 0, 0)>
#map1 = affine_map<(d0, d1) -> (0, 0, 0)>
#map2 = affine_map<(d0, d1) -> (0, 0)>
#map3 = affine_map<(d0, d1) -> (0)>
module attributes {stable_mosaic.version = 14 : i64} {
  func.func @_scat_body(%arg0: i32, %arg1: i32, %arg2: memref<2x32x80x128xi32, #tpu.memory_space<hbm>>, %arg3: memref<16x2x128xi32, #tpu.memory_space<hbm>>, %arg4: memref<10000x64xbf16, #tpu.memory_space<hbm>>, %arg5: memref<10240xf32, #tpu.memory_space<hbm>>, %arg6: memref<10240xf32, #tpu.memory_space<hbm>>, %arg7: memref<4096x64xbf16, #tpu.memory_space<hbm>>, %arg8: memref<4096x64xbf16, #tpu.memory_space<hbm>>, %arg9: memref<4096xf32, #tpu.memory_space<hbm>>, %arg10: memref<80x128xi32, #tpu.memory_space<vmem>>, %arg11: memref<80x128xi32, #tpu.memory_space<vmem>>, %arg12: memref<2x128xi32, #tpu.memory_space<vmem>>, %arg13: memref<4x128x64xbf16, #tpu.memory_space<vmem>>, %arg14: memref<2x128x64xbf16, #tpu.memory_space<vmem>>, %arg15: memref<2x128xf32, #tpu.memory_space<vmem>>, %arg16: memref<2x128xf32, #tpu.memory_space<vmem>>, %arg17: memref<10240x64xbf16, #tpu.memory_space<vmem_shared>>, %arg18: memref<10240x64xbf16, #tpu.memory_space<vmem_shared>>, %arg19: memref<!tpu.dma_semaphore, #tpu.memory_space<semaphore_mem>>, %arg20: memref<!tpu.dma_semaphore, #tpu.memory_space<semaphore_mem>>) attributes {dimension_semantics = [#tpu.dimension_semantics<core_parallel>, #tpu.dimension_semantics<subcore_parallel>], iteration_bounds = array<i64: 2, 16>, scalar_prefetch = 0 : i64, scratch_operands = 11 : i64, tpu.core_type = #tpu.core_type<sc_vector_subcore>, window_params = [{transform_indices = #map}, {transform_indices = #map1}, {transform_indices = #map2}, {transform_indices = #map3}, {transform_indices = #map3}, {transform_indices = #map2}, {transform_indices = #map2}, {transform_indices = #map3}]} {
    %mul3A = arith.constant 16 : i32
    %mul3A_0 = arith.muli %arg0, %mul3A : i32
    %add3A = arith.addi %mul3A_0, %arg1 : i32
    %scan3A = arith.constant 0 : i32
    %scan3A_1 = arith.constant 0 : i32
    %scan3A_2 = arith.constant 128 : i32
    %scan3A_3 = arith.addi %scan3A_1, %scan3A_2 : i32
    %scan3A_4 = arith.constant 1 : i32
    %scan3A_5 = scf.for %scan3A_208 = %scan3A_1 to %scan3A_3 step %scan3A_4 iter_args(%scan3A_209 = %scan3A) -> (i32)  : i32 {
      %scan3A_210 = arith.constant 0 : i32
      %scan3A_211 = arith.constant 0 : i32
      %scan3A_212 = arith.constant 2 : i32
      %scan3A_213 = arith.addi %scan3A_211, %scan3A_212 : i32
      %scan3A_214 = arith.constant 1 : i32
      %scan3A_215 = scf.for %scan3A_218 = %scan3A_211 to %scan3A_213 step %scan3A_214 iter_args(%scan3A_219 = %scan3A_210) -> (i32)  : i32 {
        %broadcast_in_dim3A = arith.constant 0.000000e+00 : bf16
        %broadcast_in_dim3A_220 = vector.broadcast %broadcast_in_dim3A : bf16 to vector<32xbf16>
        %mul3A_221 = arith.constant 2 : i32
        %mul3A_222 = arith.muli %scan3A_218, %mul3A_221 : i32
        %mul3A_223 = arith.constant 16 : i32
        %mul3A_224 = arith.muli %mul3A_222, %mul3A_223 : i32
        %swap3A = arith.constant 0 : i32
        %swap3A_225 = arith.index_cast %swap3A : i32 to index
        %swap3A_226 = arith.index_cast %scan3A_208 : i32 to index
        %swap3A_227 = arith.index_cast %mul3A_224 : i32 to index
        %swap3A_228 = tpu.vector_load %arg13[%swap3A_225, %swap3A_226, %swap3A_227] {strides = array<i32>} : memref<4x128x64xbf16, #tpu.memory_space<vmem>>, vector<1x1x32xbf16>,
        %swap3A_229 = vector.shape_cast %swap3A_228 : vector<1x1x32xbf16> to vector<32xbf16>
        %swap3A_230 = vector.shape_cast %broadcast_in_dim3A_220 : vector<32xbf16> to vector<1x1x32xbf16>
        tpu.vector_store %arg13[%swap3A_225, %swap3A_226, %swap3A_227], %swap3A_230 {strides = array<i32>} : memref<4x128x64xbf16, #tpu.memory_space<vmem>>, vector<1x1x32xbf16>,
        %scan3A_231 = arith.constant 0 : i32
        scf.yield %scan3A_231 : i32
      }
      %scan3A_216 = arith.constant 2 : i32
      %scan3A_217 = arith.constant 0 : i32
      scf.yield %scan3A_217 : i32
    }
    %scan3A_6 = arith.constant 128 : i32
    %mul3A_7 = arith.constant 625 : i32
    %mul3A_8 = arith.muli %arg1, %mul3A_7 : i32
    %dma_start3A = arith.constant 0 : i32
    %dma_start3A_9 = tpu.memref_slice %arg18[%mul3A_8, %dma_start3A] : memref<10240x64xbf16, #tpu.memory_space<vmem_shared>> -> memref<625x64xbf16, #tpu.memory_space<vmem_shared>>
    %dma_start3A_10 = arith.constant 0 : i32
    %dma_start3A_11 = tpu.memref_slice %arg4[%mul3A_8, %dma_start3A_10] : memref<10000x64xbf16, #tpu.memory_space<hbm>> -> memref<625x64xbf16, #tpu.memory_space<hbm>>
    tpu.enqueue_dma source(%dma_start3A_11 : memref<625x64xbf16, #tpu.memory_space<hbm>>) target(%dma_start3A_9 : memref<625x64xbf16, #tpu.memory_space<vmem_shared>>) target_semaphore(%arg19 : memref<!tpu.dma_semaphore, #tpu.memory_space<semaphore_mem>>)
    %dma_start3A_12 = arith.constant 0 : i32
    %dma_start3A_13 = arith.constant 0 : i32
    %dma_start3A_14 = arith.constant 0 : i32
    %dma_start3A_15 = arith.constant 0 : i32
    %dma_start3A_16 = tpu.memref_slice %arg2[%dma_start3A_12, %dma_start3A_13, %dma_start3A_14, %dma_start3A_15] : memref<2x32x80x128xi32, #tpu.memory_space<hbm>> -> memref<1x32x80x128xi32, #tpu.memory_space<hbm>>
    %dma_start3A_17 = tpu.memref_squeeze %dma_start3A_16 : memref<1x32x80x128xi32, #tpu.memory_space<hbm>> -> memref<32x80x128xi32, #tpu.memory_space<hbm>>
    %dma_start3A_18 = arith.constant 0 : i32
    %dma_start3A_19 = arith.constant 0 : i32
    %dma_start3A_20 = tpu.memref_slice %dma_start3A_17[%add3A, %dma_start3A_18, %dma_start3A_19] : memref<32x80x128xi32, #tpu.memory_space<hbm>> -> memref<1x80x128xi32, #tpu.memory_space<hbm>>
    %dma_start3A_21 = tpu.memref_squeeze %dma_start3A_20 : memref<1x80x128xi32, #tpu.memory_space<hbm>> -> memref<80x128xi32, #tpu.memory_space<hbm>>
    %dma_start3A_22 = arith.constant 0 : i32
    %dma_start3A_23 = arith.constant 0 : i32
    %dma_start3A_24 = arith.constant 0 : i32
    %dma_start3A_25 = tpu.memref_slice %arg2[%dma_start3A_12, %dma_start3A_22, %dma_start3A_23, %dma_start3A_24] : memref<2x32x80x128xi32, #tpu.memory_space<hbm>> -> memref<1x32x80x128xi32, #tpu.memory_space<hbm>>
    %dma_start3A_26 = tpu.memref_squeeze %dma_start3A_25 : memref<1x32x80x128xi32, #tpu.memory_space<hbm>> -> memref<32x80x128xi32, #tpu.memory_space<hbm>>
    %dma_start3A_27 = arith.constant 0 : i32
    %dma_start3A_28 = arith.constant 0 : i32
    %dma_start3A_29 = tpu.memref_slice %dma_start3A_26[%add3A, %dma_start3A_27, %dma_start3A_28] : memref<32x80x128xi32, #tpu.memory_space<hbm>> -> memref<1x80x128xi32, #tpu.memory_space<hbm>>
    %dma_start3A_30 = tpu.memref_squeeze %dma_start3A_29 : memref<1x80x128xi32, #tpu.memory_space<hbm>> -> memref<80x128xi32, #tpu.memory_space<hbm>>
    tpu.enqueue_dma source(%dma_start3A_30 : memref<80x128xi32, #tpu.memory_space<hbm>>) target(%arg10 : memref<80x128xi32, #tpu.memory_space<vmem>>) target_semaphore(%arg19 : memref<!tpu.dma_semaphore, #tpu.memory_space<semaphore_mem>>)
    %dma_start3A_31 = arith.constant 1 : i32
    %dma_start3A_32 = arith.constant 0 : i32
    %dma_start3A_33 = arith.constant 0 : i32
    %dma_start3A_34 = arith.constant 0 : i32
    %dma_start3A_35 = tpu.memref_slice %arg2[%dma_start3A_31, %dma_start3A_32, %dma_start3A_33, %dma_start3A_34] : memref<2x32x80x128xi32, #tpu.memory_space<hbm>> -> memref<1x32x80x128xi32, #tpu.memory_space<hbm>>
    %dma_start3A_36 = tpu.memref_squeeze %dma_start3A_35 : memref<1x32x80x128xi32, #tpu.memory_space<hbm>> -> memref<32x80x128xi32, #tpu.memory_space<hbm>>
    %dma_start3A_37 = arith.constant 0 : i32
    %dma_start3A_38 = arith.constant 0 : i32
    %dma_start3A_39 = tpu.memref_slice %dma_start3A_36[%add3A, %dma_start3A_37, %dma_start3A_38] : memref<32x80x128xi32, #tpu.memory_space<hbm>> -> memref<1x80x128xi32, #tpu.memory_space<hbm>>
    %dma_start3A_40 = tpu.memref_squeeze %dma_start3A_39 : memref<1x80x128xi32, #tpu.memory_space<hbm>> -> memref<80x128xi32, #tpu.memory_space<hbm>>
    %dma_start3A_41 = arith.constant 0 : i32
    %dma_start3A_42 = arith.constant 0 : i32
    %dma_start3A_43 = arith.constant 0 : i32
    %dma_start3A_44 = tpu.memref_slice %arg2[%dma_start3A_31, %dma_start3A_41, %dma_start3A_42, %dma_start3A_43] : memref<2x32x80x128xi32, #tpu.memory_space<hbm>> -> memref<1x32x80x128xi32, #tpu.memory_space<hbm>>
    %dma_start3A_45 = tpu.memref_squeeze %dma_start3A_44 : memref<1x32x80x128xi32, #tpu.memory_space<hbm>> -> memref<32x80x128xi32, #tpu.memory_space<hbm>>
    %dma_start3A_46 = arith.constant 0 : i32
    %dma_start3A_47 = arith.constant 0 : i32
    %dma_start3A_48 = tpu.memref_slice %dma_start3A_45[%add3A, %dma_start3A_46, %dma_start3A_47] : memref<32x80x128xi32, #tpu.memory_space<hbm>> -> memref<1x80x128xi32, #tpu.memory_space<hbm>>
    %dma_start3A_49 = tpu.memref_squeeze %dma_start3A_48 : memref<1x80x128xi32, #tpu.memory_space<hbm>> -> memref<80x128xi32, #tpu.memory_space<hbm>>
    tpu.enqueue_dma source(%dma_start3A_49 : memref<80x128xi32, #tpu.memory_space<hbm>>) target(%arg11 : memref<80x128xi32, #tpu.memory_space<vmem>>) target_semaphore(%arg19 : memref<!tpu.dma_semaphore, #tpu.memory_space<semaphore_mem>>)
    %dma_start3A_50 = arith.constant 0 : i32
    %dma_start3A_51 = arith.constant 0 : i32
    %dma_start3A_52 = tpu.memref_slice %arg3[%arg1, %dma_start3A_50, %dma_start3A_51] : memref<16x2x128xi32, #tpu.memory_space<hbm>> -> memref<1x2x128xi32, #tpu.memory_space<hbm>>
    %dma_start3A_53 = tpu.memref_squeeze %dma_start3A_52 : memref<1x2x128xi32, #tpu.memory_space<hbm>> -> memref<2x128xi32, #tpu.memory_space<hbm>>
    %dma_start3A_54 = arith.constant 0 : i32
    %dma_start3A_55 = arith.constant 0 : i32
    %dma_start3A_56 = tpu.memref_slice %arg3[%arg1, %dma_start3A_54, %dma_start3A_55] : memref<16x2x128xi32, #tpu.memory_space<hbm>> -> memref<1x2x128xi32, #tpu.memory_space<hbm>>
    %dma_start3A_57 = tpu.memref_squeeze %dma_start3A_56 : memref<1x2x128xi32, #tpu.memory_space<hbm>> -> memref<2x128xi32, #tpu.memory_space<hbm>>
    tpu.enqueue_dma source(%dma_start3A_57 : memref<2x128xi32, #tpu.memory_space<hbm>>) target(%arg12 : memref<2x128xi32, #tpu.memory_space<vmem>>) target_semaphore(%arg19 : memref<!tpu.dma_semaphore, #tpu.memory_space<semaphore_mem>>)
    %scan3A_58 = arith.constant 0 : i32
    %scan3A_59 = arith.constant 0 : i32
    %scan3A_60 = arith.constant 5 : i32
    %scan3A_61 = arith.addi %scan3A_59, %scan3A_60 : i32
    %scan3A_62 = arith.constant 1 : i32
    %scan3A_63 = scf.for %scan3A_208 = %scan3A_59 to %scan3A_61 step %scan3A_62 iter_args(%scan3A_209 = %scan3A_58) -> (i32)  : i32 {
      %mul3A_210 = arith.constant 640 : i32
      %mul3A_211 = arith.muli %arg1, %mul3A_210 : i32
      %mul3A_212 = arith.constant 128 : i32
      %mul3A_213 = arith.muli %scan3A_208, %mul3A_212 : i32
      %add3A_214 = arith.addi %mul3A_211, %mul3A_213 : i32
      %dma_start3A_215 = arith.constant 0 : i32
      %dma_start3A_216 = arith.constant 0 : i32
      %dma_start3A_217 = arith.constant 0 : i32
      %dma_start3A_218 = tpu.memref_slice %arg13[%dma_start3A_215, %dma_start3A_216, %dma_start3A_217] : memref<4x128x64xbf16, #tpu.memory_space<vmem>> -> memref<1x128x64xbf16, #tpu.memory_space<vmem>>
      %dma_start3A_219 = tpu.memref_squeeze %dma_start3A_218 : memref<1x128x64xbf16, #tpu.memory_space<vmem>> -> memref<128x64xbf16, #tpu.memory_space<vmem>>
      %dma_start3A_220 = arith.constant 0 : i32
      %dma_start3A_221 = tpu.memref_slice %arg17[%add3A_214, %dma_start3A_220] : memref<10240x64xbf16, #tpu.memory_space<vmem_shared>> -> memref<128x64xbf16, #tpu.memory_space<vmem_shared>>
      %dma_start3A_222 = arith.constant 0 : i32
      %dma_start3A_223 = tpu.memref_slice %arg17[%add3A_214, %dma_start3A_222] : memref<10240x64xbf16, #tpu.memory_space<vmem_shared>> -> memref<128x64xbf16, #tpu.memory_space<vmem_shared>>
      %dma_start3A_224 = arith.constant 0 : i32
      %dma_start3A_225 = arith.constant 0 : i32
      %dma_start3A_226 = tpu.memref_slice %arg13[%dma_start3A_215, %dma_start3A_224, %dma_start3A_225] : memref<4x128x64xbf16, #tpu.memory_space<vmem>> -> memref<1x128x64xbf16, #tpu.memory_space<vmem>>
      %dma_start3A_227 = tpu.memref_squeeze %dma_start3A_226 : memref<1x128x64xbf16, #tpu.memory_space<vmem>> -> memref<128x64xbf16, #tpu.memory_space<vmem>>
      tpu.enqueue_dma source(%dma_start3A_227 : memref<128x64xbf16, #tpu.memory_space<vmem>>) target(%dma_start3A_223 : memref<128x64xbf16, #tpu.memory_space<vmem_shared>>) target_semaphore(%arg20 : memref<!tpu.dma_semaphore, #tpu.memory_space<semaphore_mem>>)
      %ge3A = arith.constant 3 : i32
      %ge3A_228 = arith.cmpi sge, %scan3A_208, %ge3A : i32
      %convert_element_type3A_229 = arith.extui %ge3A_228 : i1 to i32
      %cond3A_230 = arith.constant 0 : i32
      %cond3A_231 = arith.cmpi ne, %convert_element_type3A_229, %cond3A_230 : i32
      scf.if %cond3A_231 {
        %mul3A_233 = arith.constant 640 : i32
        %mul3A_234 = arith.muli %arg1, %mul3A_233 : i32
        %dma_wait3A_235 = arith.constant 0 : i32
        %dma_wait3A_236 = arith.constant 0 : i32
        %dma_wait3A_237 = arith.constant 0 : i32
        %dma_wait3A_238 = tpu.memref_slice %arg13[%dma_wait3A_235, %dma_wait3A_236, %dma_wait3A_237] : memref<4x128x64xbf16, #tpu.memory_space<vmem>> -> memref<1x128x64xbf16, #tpu.memory_space<vmem>>
        %dma_wait3A_239 = tpu.memref_squeeze %dma_wait3A_238 : memref<1x128x64xbf16, #tpu.memory_space<vmem>> -> memref<128x64xbf16, #tpu.memory_space<vmem>>
        %dma_wait3A_240 = arith.constant 0 : i32
        %dma_wait3A_241 = tpu.memref_slice %arg17[%mul3A_234, %dma_wait3A_240] : memref<10240x64xbf16, #tpu.memory_space<vmem_shared>> -> memref<128x64xbf16, #tpu.memory_space<vmem_shared>>
        %dma_wait3A_242 = arith.constant 0 : i32
        %dma_wait3A_243 = tpu.memref_slice %arg17[%mul3A_234, %dma_wait3A_242] : memref<10240x64xbf16, #tpu.memory_space<vmem_shared>> -> memref<128x64xbf16, #tpu.memory_space<vmem_shared>>
        %dma_wait3A_244 = arith.constant 0 : i32
        %dma_wait3A_245 = arith.constant 0 : i32
        %dma_wait3A_246 = tpu.memref_slice %arg13[%dma_wait3A_235, %dma_wait3A_244, %dma_wait3A_245] : memref<4x128x64xbf16, #tpu.memory_space<vmem>> -> memref<1x128x64xbf16, #tpu.memory_space<vmem>>
        %dma_wait3A_247 = tpu.memref_squeeze %dma_wait3A_246 : memref<1x128x64xbf16, #tpu.memory_space<vmem>> -> memref<128x64xbf16, #tpu.memory_space<vmem>>
        tpu.wait_dma2 semaphore(%arg20 : memref<!tpu.dma_semaphore, #tpu.memory_space<semaphore_mem>>) src(%dma_wait3A_247 : memref<128x64xbf16, #tpu.memory_space<vmem>>) dst(%dma_wait3A_243 : memref<128x64xbf16, #tpu.memory_space<vmem_shared>>)
      } else {
      }
      %scan3A_232 = arith.constant 0 : i32
      scf.yield %scan3A_232 : i32
    }
    %scan3A_64 = arith.constant 5 : i32
    %dma_wait3A = arith.constant 0 : i32
    %dma_wait3A_65 = tpu.memref_slice %arg18[%mul3A_8, %dma_wait3A] : memref<10240x64xbf16, #tpu.memory_space<vmem_shared>> -> memref<625x64xbf16, #tpu.memory_space<vmem_shared>>
    %dma_wait3A_66 = arith.constant 0 : i32
    %dma_wait3A_67 = tpu.memref_slice %arg4[%mul3A_8, %dma_wait3A_66] : memref<10000x64xbf16, #tpu.memory_space<hbm>> -> memref<625x64xbf16, #tpu.memory_space<hbm>>
    tpu.wait_dma2 semaphore(%arg19 : memref<!tpu.dma_semaphore, #tpu.memory_space<semaphore_mem>>) src(%dma_wait3A_67 : memref<625x64xbf16, #tpu.memory_space<hbm>>) dst(%dma_wait3A_65 : memref<625x64xbf16, #tpu.memory_space<vmem_shared>>)
    %dma_wait3A_68 = arith.constant 0 : i32
    %dma_wait3A_69 = arith.constant 0 : i32
    %dma_wait3A_70 = arith.constant 0 : i32
    %dma_wait3A_71 = arith.constant 0 : i32
    %dma_wait3A_72 = tpu.memref_slice %arg2[%dma_wait3A_68, %dma_wait3A_69, %dma_wait3A_70, %dma_wait3A_71] : memref<2x32x80x128xi32, #tpu.memory_space<hbm>> -> memref<1x32x80x128xi32, #tpu.memory_space<hbm>>
    %dma_wait3A_73 = tpu.memref_squeeze %dma_wait3A_72 : memref<1x32x80x128xi32, #tpu.memory_space<hbm>> -> memref<32x80x128xi32, #tpu.memory_space<hbm>>
    %dma_wait3A_74 = arith.constant 0 : i32
    %dma_wait3A_75 = arith.constant 0 : i32
    %dma_wait3A_76 = tpu.memref_slice %dma_wait3A_73[%add3A, %dma_wait3A_74, %dma_wait3A_75] : memref<32x80x128xi32, #tpu.memory_space<hbm>> -> memref<1x80x128xi32, #tpu.memory_space<hbm>>
    %dma_wait3A_77 = tpu.memref_squeeze %dma_wait3A_76 : memref<1x80x128xi32, #tpu.memory_space<hbm>> -> memref<80x128xi32, #tpu.memory_space<hbm>>
    %dma_wait3A_78 = arith.constant 0 : i32
    %dma_wait3A_79 = arith.constant 0 : i32
    %dma_wait3A_80 = arith.constant 0 : i32
    %dma_wait3A_81 = tpu.memref_slice %arg2[%dma_wait3A_68, %dma_wait3A_78, %dma_wait3A_79, %dma_wait3A_80] : memref<2x32x80x128xi32, #tpu.memory_space<hbm>> -> memref<1x32x80x128xi32, #tpu.memory_space<hbm>>
    %dma_wait3A_82 = tpu.memref_squeeze %dma_wait3A_81 : memref<1x32x80x128xi32, #tpu.memory_space<hbm>> -> memref<32x80x128xi32, #tpu.memory_space<hbm>>
    %dma_wait3A_83 = arith.constant 0 : i32
    %dma_wait3A_84 = arith.constant 0 : i32
    %dma_wait3A_85 = tpu.memref_slice %dma_wait3A_82[%add3A, %dma_wait3A_83, %dma_wait3A_84] : memref<32x80x128xi32, #tpu.memory_space<hbm>> -> memref<1x80x128xi32, #tpu.memory_space<hbm>>
    %dma_wait3A_86 = tpu.memref_squeeze %dma_wait3A_85 : memref<1x80x128xi32, #tpu.memory_space<hbm>> -> memref<80x128xi32, #tpu.memory_space<hbm>>
    tpu.wait_dma2 semaphore(%arg19 : memref<!tpu.dma_semaphore, #tpu.memory_space<semaphore_mem>>) src(%dma_wait3A_86 : memref<80x128xi32, #tpu.memory_space<hbm>>) dst(%arg10 : memref<80x128xi32, #tpu.memory_space<vmem>>)
    %dma_wait3A_87 = arith.constant 1 : i32
    %dma_wait3A_88 = arith.constant 0 : i32
    %dma_wait3A_89 = arith.constant 0 : i32
    %dma_wait3A_90 = arith.constant 0 : i32
    %dma_wait3A_91 = tpu.memref_slice %arg2[%dma_wait3A_87, %dma_wait3A_88, %dma_wait3A_89, %dma_wait3A_90] : memref<2x32x80x128xi32, #tpu.memory_space<hbm>> -> memref<1x32x80x128xi32, #tpu.memory_space<hbm>>
    %dma_wait3A_92 = tpu.memref_squeeze %dma_wait3A_91 : memref<1x32x80x128xi32, #tpu.memory_space<hbm>> -> memref<32x80x128xi32, #tpu.memory_space<hbm>>
    %dma_wait3A_93 = arith.constant 0 : i32
    %dma_wait3A_94 = arith.constant 0 : i32
    %dma_wait3A_95 = tpu.memref_slice %dma_wait3A_92[%add3A, %dma_wait3A_93, %dma_wait3A_94] : memref<32x80x128xi32, #tpu.memory_space<hbm>> -> memref<1x80x128xi32, #tpu.memory_space<hbm>>
    %dma_wait3A_96 = tpu.memref_squeeze %dma_wait3A_95 : memref<1x80x128xi32, #tpu.memory_space<hbm>> -> memref<80x128xi32, #tpu.memory_space<hbm>>
    %dma_wait3A_97 = arith.constant 0 : i32
    %dma_wait3A_98 = arith.constant 0 : i32
    %dma_wait3A_99 = arith.constant 0 : i32
    %dma_wait3A_100 = tpu.memref_slice %arg2[%dma_wait3A_87, %dma_wait3A_97, %dma_wait3A_98, %dma_wait3A_99] : memref<2x32x80x128xi32, #tpu.memory_space<hbm>> -> memref<1x32x80x128xi32, #tpu.memory_space<hbm>>
    %dma_wait3A_101 = tpu.memref_squeeze %dma_wait3A_100 : memref<1x32x80x128xi32, #tpu.memory_space<hbm>> -> memref<32x80x128xi32, #tpu.memory_space<hbm>>
    %dma_wait3A_102 = arith.constant 0 : i32
    %dma_wait3A_103 = arith.constant 0 : i32
    %dma_wait3A_104 = tpu.memref_slice %dma_wait3A_101[%add3A, %dma_wait3A_102, %dma_wait3A_103] : memref<32x80x128xi32, #tpu.memory_space<hbm>> -> memref<1x80x128xi32, #tpu.memory_space<hbm>>
    %dma_wait3A_105 = tpu.memref_squeeze %dma_wait3A_104 : memref<1x80x128xi32, #tpu.memory_space<hbm>> -> memref<80x128xi32, #tpu.memory_space<hbm>>
    tpu.wait_dma2 semaphore(%arg19 : memref<!tpu.dma_semaphore, #tpu.memory_space<semaphore_mem>>) src(%dma_wait3A_105 : memref<80x128xi32, #tpu.memory_space<hbm>>) dst(%arg11 : memref<80x128xi32, #tpu.memory_space<vmem>>)
    %dma_wait3A_106 = arith.constant 0 : i32
    %dma_wait3A_107 = arith.constant 0 : i32
    %dma_wait3A_108 = tpu.memref_slice %arg3[%arg1, %dma_wait3A_106, %dma_wait3A_107] : memref<16x2x128xi32, #tpu.memory_space<hbm>> -> memref<1x2x128xi32, #tpu.memory_space<hbm>>
    %dma_wait3A_109 = tpu.memref_squeeze %dma_wait3A_108 : memref<1x2x128xi32, #tpu.memory_space<hbm>> -> memref<2x128xi32, #tpu.memory_space<hbm>>
    %dma_wait3A_110 = arith.constant 0 : i32
    %dma_wait3A_111 = arith.constant 0 : i32
    %dma_wait3A_112 = tpu.memref_slice %arg3[%arg1, %dma_wait3A_110, %dma_wait3A_111] : memref<16x2x128xi32, #tpu.memory_space<hbm>> -> memref<1x2x128xi32, #tpu.memory_space<hbm>>
    %dma_wait3A_113 = tpu.memref_squeeze %dma_wait3A_112 : memref<1x2x128xi32, #tpu.memory_space<hbm>> -> memref<2x128xi32, #tpu.memory_space<hbm>>
    tpu.wait_dma2 semaphore(%arg19 : memref<!tpu.dma_semaphore, #tpu.memory_space<semaphore_mem>>) src(%dma_wait3A_113 : memref<2x128xi32, #tpu.memory_space<hbm>>) dst(%arg12 : memref<2x128xi32, #tpu.memory_space<vmem>>)
    %scan3A_114 = arith.constant 0 : i32
    %scan3A_115 = arith.constant 0 : i32
    %scan3A_116 = arith.constant 3 : i32
    %scan3A_117 = arith.addi %scan3A_115, %scan3A_116 : i32
    %scan3A_118 = arith.constant 1 : i32
    %scan3A_119 = scf.for %scan3A_208 = %scan3A_115 to %scan3A_117 step %scan3A_118 iter_args(%scan3A_209 = %scan3A_114) -> (i32)  : i32 {
      %mul3A_210 = arith.constant 640 : i32
      %mul3A_211 = arith.muli %arg1, %mul3A_210 : i32
      %dma_wait3A_212 = arith.constant 0 : i32
      %dma_wait3A_213 = arith.constant 0 : i32
      %dma_wait3A_214 = arith.constant 0 : i32
      %dma_wait3A_215 = tpu.memref_slice %arg13[%dma_wait3A_212, %dma_wait3A_213, %dma_wait3A_214] : memref<4x128x64xbf16, #tpu.memory_space<vmem>> -> memref<1x128x64xbf16, #tpu.memory_space<vmem>>
      %dma_wait3A_216 = tpu.memref_squeeze %dma_wait3A_215 : memref<1x128x64xbf16, #tpu.memory_space<vmem>> -> memref<128x64xbf16, #tpu.memory_space<vmem>>
      %dma_wait3A_217 = arith.constant 0 : i32
      %dma_wait3A_218 = tpu.memref_slice %arg17[%mul3A_211, %dma_wait3A_217] : memref<10240x64xbf16, #tpu.memory_space<vmem_shared>> -> memref<128x64xbf16, #tpu.memory_space<vmem_shared>>
      %dma_wait3A_219 = arith.constant 0 : i32
      %dma_wait3A_220 = tpu.memref_slice %arg17[%mul3A_211, %dma_wait3A_219] : memref<10240x64xbf16, #tpu.memory_space<vmem_shared>> -> memref<128x64xbf16, #tpu.memory_space<vmem_shared>>
      %dma_wait3A_221 = arith.constant 0 : i32
      %dma_wait3A_222 = arith.constant 0 : i32
      %dma_wait3A_223 = tpu.memref_slice %arg13[%dma_wait3A_212, %dma_wait3A_221, %dma_wait3A_222] : memref<4x128x64xbf16, #tpu.memory_space<vmem>> -> memref<1x128x64xbf16, #tpu.memory_space<vmem>>
      %dma_wait3A_224 = tpu.memref_squeeze %dma_wait3A_223 : memref<1x128x64xbf16, #tpu.memory_space<vmem>> -> memref<128x64xbf16, #tpu.memory_space<vmem>>
      tpu.wait_dma2 semaphore(%arg20 : memref<!tpu.dma_semaphore, #tpu.memory_space<semaphore_mem>>) src(%dma_wait3A_224 : memref<128x64xbf16, #tpu.memory_space<vmem>>) dst(%dma_wait3A_220 : memref<128x64xbf16, #tpu.memory_space<vmem_shared>>)
      %scan3A_225 = arith.constant 0 : i32
      scf.yield %scan3A_225 : i32
    }
    %scan3A_120 = arith.constant 3 : i32
    %barrier3A = arith.constant 0 : index
    tpu.barrier barrier_id(%barrier3A)
    %dma_start3A_121 = arith.constant 0 : i32
    %dma_start3A_122 = arith.constant 0 : i32
    %dma_start3A_123 = arith.constant 0 : i32
    %dma_start3A_124 = arith.constant 0 : i32
    %dma_start3A_125 = tpu.memref_slice %arg13[%dma_start3A_122, %dma_start3A_123, %dma_start3A_124] : memref<4x128x64xbf16, #tpu.memory_space<vmem>> -> memref<1x128x64xbf16, #tpu.memory_space<vmem>>
    %dma_start3A_126 = tpu.memref_squeeze %dma_start3A_125 : memref<1x128x64xbf16, #tpu.memory_space<vmem>> -> memref<128x64xbf16, #tpu.memory_space<vmem>>
    %dma_start3A_127 = arith.constant 0 : i32
    %dma_start3A_128 = tpu.memref_slice %arg10[%dma_start3A_121, %dma_start3A_127] : memref<80x128xi32, #tpu.memory_space<vmem>> -> memref<1x128xi32, #tpu.memory_space<vmem>>
    %dma_start3A_129 = tpu.memref_squeeze %dma_start3A_128 : memref<1x128xi32, #tpu.memory_space<vmem>> -> memref<128xi32, #tpu.memory_space<vmem>>
    %dma_start3A_130 = arith.constant 0 : i32
    %dma_start3A_131 = arith.constant 0 : i32
    %dma_start3A_132 = tpu.memref_slice %arg18[%dma_start3A_130, %dma_start3A_131] : memref<10240x64xbf16, #tpu.memory_space<vmem_shared>> -> memref<10240x64xbf16, #tpu.memory_space<vmem_shared>>
    tpu.enqueue_indirect_dma source(%dma_start3A_132 : memref<10240x64xbf16, #tpu.memory_space<vmem_shared>>) target(%dma_start3A_126 : memref<128x64xbf16, #tpu.memory_space<vmem>>) offsets(%dma_start3A_129 : memref<128xi32, #tpu.memory_space<vmem>>) semaphore(%arg19 : memref<!tpu.dma_semaphore, #tpu.memory_space<semaphore_mem>>)
    %dma_start3A_133 = arith.constant 1 : i32
    %dma_start3A_134 = arith.constant 1 : i32
    %dma_start3A_135 = arith.constant 0 : i32
    %dma_start3A_136 = arith.constant 0 : i32
    %dma_start3A_137 = tpu.memref_slice %arg13[%dma_start3A_134, %dma_start3A_135, %dma_start3A_136] : memref<4x128x64xbf16, #tpu.memory_space<vmem>> -> memref<1x128x64xbf16, #tpu.memory_space<vmem>>
    %dma_start3A_138 = tpu.memref_squeeze %dma_start3A_137 : memref<1x128x64xbf16, #tpu.memory_space<vmem>> -> memref<128x64xbf16, #tpu.memory_space<vmem>>
    %dma_start3A_139 = arith.constant 0 : i32
    %dma_start3A_140 = tpu.memref_slice %arg10[%dma_start3A_133, %dma_start3A_139] : memref<80x128xi32, #tpu.memory_space<vmem>> -> memref<1x128xi32, #tpu.memory_space<vmem>>
    %dma_start3A_141 = tpu.memref_squeeze %dma_start3A_140 : memref<1x128xi32, #tpu.memory_space<vmem>> -> memref<128xi32, #tpu.memory_space<vmem>>
    %dma_start3A_142 = arith.constant 0 : i32
    %dma_start3A_143 = arith.constant 0 : i32
    %dma_start3A_144 = tpu.memref_slice %arg18[%dma_start3A_142, %dma_start3A_143] : memref<10240x64xbf16, #tpu.memory_space<vmem_shared>> -> memref<10240x64xbf16, #tpu.memory_space<vmem_shared>>
    tpu.enqueue_indirect_dma source(%dma_start3A_144 : memref<10240x64xbf16, #tpu.memory_space<vmem_shared>>) target(%dma_start3A_138 : memref<128x64xbf16, #tpu.memory_space<vmem>>) offsets(%dma_start3A_141 : memref<128xi32, #tpu.memory_space<vmem>>) semaphore(%arg19 : memref<!tpu.dma_semaphore, #tpu.memory_space<semaphore_mem>>)
    %scan3A_145 = arith.constant 0 : i32
    %scan3A_146 = arith.constant 0 : i32
    %scan3A_147 = arith.constant 80 : i32
    %scan3A_148 = arith.addi %scan3A_146, %scan3A_147 : i32
    %scan3A_149 = arith.constant 1 : i32
    %scan3A_150 = scf.for %scan3A_208 = %scan3A_146 to %scan3A_148 step %scan3A_149 iter_args(%scan3A_209 = %scan3A_145) -> (i32)  : i32 {
      %ge3A = arith.constant 2 : i32
      %ge3A_210 = arith.cmpi sge, %scan3A_208, %ge3A : i32
      %convert_element_type3A_211 = arith.extui %ge3A_210 : i1 to i32
      %cond3A_212 = arith.constant 0 : i32
      %cond3A_213 = arith.cmpi ne, %convert_element_type3A_211, %cond3A_212 : i32
      scf.if %cond3A_213 {
        %dma_wait3A_243 = arith.constant 0 : i32
        %dma_wait3A_244 = arith.constant 0 : i32
        %dma_wait3A_245 = arith.constant 0 : i32
        %dma_wait3A_246 = arith.constant 0 : i32
        %dma_wait3A_247 = tpu.memref_slice %arg13[%dma_wait3A_243, %dma_wait3A_245, %dma_wait3A_246] : memref<4x128x64xbf16, #tpu.memory_space<vmem>> -> memref<1x128x64xbf16, #tpu.memory_space<vmem>>
        %dma_wait3A_248 = tpu.memref_squeeze %dma_wait3A_247 : memref<1x128x64xbf16, #tpu.memory_space<vmem>> -> memref<128x64xbf16, #tpu.memory_space<vmem>>
        %dma_wait3A_249 = arith.constant 0 : i32
        %dma_wait3A_250 = tpu.memref_slice %arg11[%dma_wait3A_244, %dma_wait3A_249] : memref<80x128xi32, #tpu.memory_space<vmem>> -> memref<1x128xi32, #tpu.memory_space<vmem>>
        %dma_wait3A_251 = tpu.memref_squeeze %dma_wait3A_250 : memref<1x128xi32, #tpu.memory_space<vmem>> -> memref<128xi32, #tpu.memory_space<vmem>>
        %dma_wait3A_252 = arith.constant 0 : i32
        %dma_wait3A_253 = arith.constant 0 : i32
        %dma_wait3A_254 = tpu.memref_slice %arg17[%dma_wait3A_252, %dma_wait3A_253] : memref<10240x64xbf16, #tpu.memory_space<vmem_shared>> -> memref<10240x64xbf16, #tpu.memory_space<vmem_shared>>
        tpu.wait_indirect_dma semaphore(%arg20 : memref<!tpu.dma_semaphore, #tpu.memory_space<semaphore_mem>>) src(%dma_wait3A_248 : memref<128x64xbf16, #tpu.memory_space<vmem>>) dst(%dma_wait3A_254 : memref<10240x64xbf16, #tpu.memory_space<vmem_shared>>)
      } else {
      }
      %add3A_214 = arith.constant 2 : i32
      %add3A_215 = arith.addi %scan3A_208, %add3A_214 : i32
      %lt3A = arith.constant 80 : i32
      %lt3A_216 = arith.cmpi slt, %add3A_215, %lt3A : i32
      %convert_element_type3A_217 = arith.extui %lt3A_216 : i1 to i32
      %cond3A_218 = arith.constant 0 : i32
      %cond3A_219 = arith.cmpi ne, %convert_element_type3A_217, %cond3A_218 : i32
      scf.if %cond3A_219 {
        %add3A_243 = arith.constant 2 : i32
        %add3A_244 = arith.addi %scan3A_208, %add3A_243 : i32
        %rem3A_245 = arith.constant 4 : i32
        %rem3A_246 = arith.remsi %add3A_244, %rem3A_245 : i32
        %add3A_247 = arith.constant 2 : i32
        %add3A_248 = arith.addi %scan3A_208, %add3A_247 : i32
        %dma_start3A_249 = arith.constant 0 : i32
        %dma_start3A_250 = arith.constant 0 : i32
        %dma_start3A_251 = tpu.memref_slice %arg13[%rem3A_246, %dma_start3A_249, %dma_start3A_250] : memref<4x128x64xbf16, #tpu.memory_space<vmem>> -> memref<1x128x64xbf16, #tpu.memory_space<vmem>>
        %dma_start3A_252 = tpu.memref_squeeze %dma_start3A_251 : memref<1x128x64xbf16, #tpu.memory_space<vmem>> -> memref<128x64xbf16, #tpu.memory_space<vmem>>
        %dma_start3A_253 = arith.constant 0 : i32
        %dma_start3A_254 = tpu.memref_slice %arg10[%add3A_248, %dma_start3A_253] : memref<80x128xi32, #tpu.memory_space<vmem>> -> memref<1x128xi32, #tpu.memory_space<vmem>>
        %dma_start3A_255 = tpu.memref_squeeze %dma_start3A_254 : memref<1x128xi32, #tpu.memory_space<vmem>> -> memref<128xi32, #tpu.memory_space<vmem>>
        %dma_start3A_256 = arith.constant 0 : i32
        %dma_start3A_257 = arith.constant 0 : i32
        %dma_start3A_258 = tpu.memref_slice %arg18[%dma_start3A_256, %dma_start3A_257] : memref<10240x64xbf16, #tpu.memory_space<vmem_shared>> -> memref<10240x64xbf16, #tpu.memory_space<vmem_shared>>
        tpu.enqueue_indirect_dma source(%dma_start3A_258 : memref<10240x64xbf16, #tpu.memory_space<vmem_shared>>) target(%dma_start3A_252 : memref<128x64xbf16, #tpu.memory_space<vmem>>) offsets(%dma_start3A_255 : memref<128xi32, #tpu.memory_space<vmem>>) semaphore(%arg19 : memref<!tpu.dma_semaphore, #tpu.memory_space<semaphore_mem>>)
      } else {
      }
      %rem3A = arith.constant 4 : i32
      %rem3A_220 = arith.remsi %scan3A_208, %rem3A : i32
      %dma_wait3A_221 = arith.constant 0 : i32
      %dma_wait3A_222 = arith.constant 0 : i32
      %dma_wait3A_223 = arith.constant 0 : i32
      %dma_wait3A_224 = tpu.memref_slice %arg13[%rem3A_220, %dma_wait3A_222, %dma_wait3A_223] : memref<4x128x64xbf16, #tpu.memory_space<vmem>> -> memref<1x128x64xbf16, #tpu.memory_space<vmem>>
      %dma_wait3A_225 = tpu.memref_squeeze %dma_wait3A_224 : memref<1x128x64xbf16, #tpu.memory_space<vmem>> -> memref<128x64xbf16, #tpu.memory_space<vmem>>
      %dma_wait3A_226 = arith.constant 0 : i32
      %dma_wait3A_227 = tpu.memref_slice %arg10[%dma_wait3A_221, %dma_wait3A_226] : memref<80x128xi32, #tpu.memory_space<vmem>> -> memref<1x128xi32, #tpu.memory_space<vmem>>
      %dma_wait3A_228 = tpu.memref_squeeze %dma_wait3A_227 : memref<1x128xi32, #tpu.memory_space<vmem>> -> memref<128xi32, #tpu.memory_space<vmem>>
      %dma_wait3A_229 = arith.constant 0 : i32
      %dma_wait3A_230 = arith.constant 0 : i32
      %dma_wait3A_231 = tpu.memref_slice %arg18[%dma_wait3A_229, %dma_wait3A_230] : memref<10240x64xbf16, #tpu.memory_space<vmem_shared>> -> memref<10240x64xbf16, #tpu.memory_space<vmem_shared>>
      tpu.wait_indirect_dma semaphore(%arg19 : memref<!tpu.dma_semaphore, #tpu.memory_space<semaphore_mem>>) src(%dma_wait3A_231 : memref<10240x64xbf16, #tpu.memory_space<vmem_shared>>) dst(%dma_wait3A_225 : memref<128x64xbf16, #tpu.memory_space<vmem>>)
      %dma_start3A_232 = arith.constant 0 : i32
      %dma_start3A_233 = arith.constant 0 : i32
      %dma_start3A_234 = tpu.memref_slice %arg13[%rem3A_220, %dma_start3A_232, %dma_start3A_233] : memref<4x128x64xbf16, #tpu.memory_space<vmem>> -> memref<1x128x64xbf16, #tpu.memory_space<vmem>>
      %dma_start3A_235 = tpu.memref_squeeze %dma_start3A_234 : memref<1x128x64xbf16, #tpu.memory_space<vmem>> -> memref<128x64xbf16, #tpu.memory_space<vmem>>
      %dma_start3A_236 = arith.constant 0 : i32
      %dma_start3A_237 = tpu.memref_slice %arg11[%scan3A_208, %dma_start3A_236] : memref<80x128xi32, #tpu.memory_space<vmem>> -> memref<1x128xi32, #tpu.memory_space<vmem>>
      %dma_start3A_238 = tpu.memref_squeeze %dma_start3A_237 : memref<1x128xi32, #tpu.memory_space<vmem>> -> memref<128xi32, #tpu.memory_space<vmem>>
      %dma_start3A_239 = arith.constant 0 : i32
      %dma_start3A_240 = arith.constant 0 : i32
      %dma_start3A_241 = tpu.memref_slice %arg17[%dma_start3A_239, %dma_start3A_240] : memref<10240x64xbf16, #tpu.memory_space<vmem_shared>> -> memref<10240x64xbf16, #tpu.memory_space<vmem_shared>>
      tpu.enqueue_indirect_dma source(%dma_start3A_235 : memref<128x64xbf16, #tpu.memory_space<vmem>>) target(%dma_start3A_241 : memref<10240x64xbf16, #tpu.memory_space<vmem_shared>>) offsets(%dma_start3A_238 : memref<128xi32, #tpu.memory_space<vmem>>) semaphore(%arg20 : memref<!tpu.dma_semaphore, #tpu.memory_space<semaphore_mem>>) {add = true}
      %scan3A_242 = arith.constant 0 : i32
      scf.yield %scan3A_242 : i32
    }
    %scan3A_151 = arith.constant 80 : i32
    %dma_wait3A_152 = arith.constant 0 : i32
    %dma_wait3A_153 = arith.constant 0 : i32
    %dma_wait3A_154 = arith.constant 0 : i32
    %dma_wait3A_155 = arith.constant 0 : i32
    %dma_wait3A_156 = tpu.memref_slice %arg13[%dma_wait3A_152, %dma_wait3A_154, %dma_wait3A_155] : memref<4x128x64xbf16, #tpu.memory_space<vmem>> -> memref<1x128x64xbf16, #tpu.memory_space<vmem>>
    %dma_wait3A_157 = tpu.memref_squeeze %dma_wait3A_156 : memref<1x128x64xbf16, #tpu.memory_space<vmem>> -> memref<128x64xbf16, #tpu.memory_space<vmem>>
    %dma_wait3A_158 = arith.constant 0 : i32
    %dma_wait3A_159 = tpu.memref_slice %arg11[%dma_wait3A_153, %dma_wait3A_158] : memref<80x128xi32, #tpu.memory_space<vmem>> -> memref<1x128xi32, #tpu.memory_space<vmem>>
    %dma_wait3A_160 = tpu.memref_squeeze %dma_wait3A_159 : memref<1x128xi32, #tpu.memory_space<vmem>> -> memref<128xi32, #tpu.memory_space<vmem>>
    %dma_wait3A_161 = arith.constant 0 : i32
    %dma_wait3A_162 = arith.constant 0 : i32
    %dma_wait3A_163 = tpu.memref_slice %arg17[%dma_wait3A_161, %dma_wait3A_162] : memref<10240x64xbf16, #tpu.memory_space<vmem_shared>> -> memref<10240x64xbf16, #tpu.memory_space<vmem_shared>>
    tpu.wait_indirect_dma semaphore(%arg20 : memref<!tpu.dma_semaphore, #tpu.memory_space<semaphore_mem>>) src(%dma_wait3A_157 : memref<128x64xbf16, #tpu.memory_space<vmem>>) dst(%dma_wait3A_163 : memref<10240x64xbf16, #tpu.memory_space<vmem_shared>>)
    %dma_wait3A_164 = arith.constant 1 : i32
    %dma_wait3A_165 = arith.constant 1 : i32
    %dma_wait3A_166 = arith.constant 0 : i32
    %dma_wait3A_167 = arith.constant 0 : i32
    %dma_wait3A_168 = tpu.memref_slice %arg13[%dma_wait3A_164, %dma_wait3A_166, %dma_wait3A_167] : memref<4x128x64xbf16, #tpu.memory_space<vmem>> -> memref<1x128x64xbf16, #tpu.memory_space<vmem>>
    %dma_wait3A_169 = tpu.memref_squeeze %dma_wait3A_168 : memref<1x128x64xbf16, #tpu.memory_space<vmem>> -> memref<128x64xbf16, #tpu.memory_space<vmem>>
    %dma_wait3A_170 = arith.constant 0 : i32
    %dma_wait3A_171 = tpu.memref_slice %arg11[%dma_wait3A_165, %dma_wait3A_170] : memref<80x128xi32, #tpu.memory_space<vmem>> -> memref<1x128xi32, #tpu.memory_space<vmem>>
    %dma_wait3A_172 = tpu.memref_squeeze %dma_wait3A_171 : memref<1x128xi32, #tpu.memory_space<vmem>> -> memref<128xi32, #tpu.memory_space<vmem>>
    %dma_wait3A_173 = arith.constant 0 : i32
    %dma_wait3A_174 = arith.constant 0 : i32
    %dma_wait3A_175 = tpu.memref_slice %arg17[%dma_wait3A_173, %dma_wait3A_174] : memref<10240x64xbf16, #tpu.memory_space<vmem_shared>> -> memref<10240x64xbf16, #tpu.memory_space<vmem_shared>>
    tpu.wait_indirect_dma semaphore(%arg20 : memref<!tpu.dma_semaphore, #tpu.memory_space<semaphore_mem>>) src(%dma_wait3A_169 : memref<128x64xbf16, #tpu.memory_space<vmem>>) dst(%dma_wait3A_175 : memref<10240x64xbf16, #tpu.memory_space<vmem_shared>>)
    %barrier3A_176 = arith.constant 0 : index
    tpu.barrier barrier_id(%barrier3A_176)
    %dma_start3A_177 = arith.constant 0 : i32
    %dma_start3A_178 = arith.constant 0 : i32
    %dma_start3A_179 = arith.constant 0 : i32
    %dma_start3A_180 = arith.constant 0 : i32
    %dma_start3A_181 = tpu.memref_slice %arg14[%dma_start3A_178, %dma_start3A_179, %dma_start3A_180] : memref<2x128x64xbf16, #tpu.memory_space<vmem>> -> memref<1x128x64xbf16, #tpu.memory_space<vmem>>
    %dma_start3A_182 = tpu.memref_squeeze %dma_start3A_181 : memref<1x128x64xbf16, #tpu.memory_space<vmem>> -> memref<128x64xbf16, #tpu.memory_space<vmem>>
    %dma_start3A_183 = arith.constant 0 : i32
    %dma_start3A_184 = tpu.memref_slice %arg12[%dma_start3A_177, %dma_start3A_183] : memref<2x128xi32, #tpu.memory_space<vmem>> -> memref<1x128xi32, #tpu.memory_space<vmem>>
    %dma_start3A_185 = tpu.memref_squeeze %dma_start3A_184 : memref<1x128xi32, #tpu.memory_space<vmem>> -> memref<128xi32, #tpu.memory_space<vmem>>
    %dma_start3A_186 = arith.constant 0 : i32
    %dma_start3A_187 = arith.constant 0 : i32
    %dma_start3A_188 = tpu.memref_slice %arg17[%dma_start3A_186, %dma_start3A_187] : memref<10240x64xbf16, #tpu.memory_space<vmem_shared>> -> memref<10240x64xbf16, #tpu.memory_space<vmem_shared>>
    tpu.enqueue_indirect_dma source(%dma_start3A_188 : memref<10240x64xbf16, #tpu.memory_space<vmem_shared>>) target(%dma_start3A_182 : memref<128x64xbf16, #tpu.memory_space<vmem>>) offsets(%dma_start3A_185 : memref<128xi32, #tpu.memory_space<vmem>>) semaphore(%arg19 : memref<!tpu.dma_semaphore, #tpu.memory_space<semaphore_mem>>)
    %dma_start3A_189 = arith.constant 1 : i32
    %dma_start3A_190 = arith.constant 1 : i32
    %dma_start3A_191 = arith.constant 0 : i32
    %dma_start3A_192 = arith.constant 0 : i32
    %dma_start3A_193 = tpu.memref_slice %arg14[%dma_start3A_190, %dma_start3A_191, %dma_start3A_192] : memref<2x128x64xbf16, #tpu.memory_space<vmem>> -> memref<1x128x64xbf16, #tpu.memory_space<vmem>>
    %dma_start3A_194 = tpu.memref_squeeze %dma_start3A_193 : memref<1x128x64xbf16, #tpu.memory_space<vmem>> -> memref<128x64xbf16, #tpu.memory_space<vmem>>
    %dma_start3A_195 = arith.constant 0 : i32
    %dma_start3A_196 = tpu.memref_slice %arg12[%dma_start3A_189, %dma_start3A_195] : memref<2x128xi32, #tpu.memory_space<vmem>> -> memref<1x128xi32, #tpu.memory_space<vmem>>
    %dma_start3A_197 = tpu.memref_squeeze %dma_start3A_196 : memref<1x128xi32, #tpu.memory_space<vmem>> -> memref<128xi32, #tpu.memory_space<vmem>>
    %dma_start3A_198 = arith.constant 0 : i32
    %dma_start3A_199 = arith.constant 0 : i32
    %dma_start3A_200 = tpu.memref_slice %arg17[%dma_start3A_198, %dma_start3A_199] : memref<10240x64xbf16, #tpu.memory_space<vmem_shared>> -> memref<10240x64xbf16, #tpu.memory_space<vmem_shared>>
    tpu.enqueue_indirect_dma source(%dma_start3A_200 : memref<10240x64xbf16, #tpu.memory_space<vmem_shared>>) target(%dma_start3A_194 : memref<128x64xbf16, #tpu.memory_space<vmem>>) offsets(%dma_start3A_197 : memref<128xi32, #tpu.memory_space<vmem>>) semaphore(%arg19 : memref<!tpu.dma_semaphore, #tpu.memory_space<semaphore_mem>>)
    %eq3A = arith.constant 0 : i32
    %eq3A_201 = arith.cmpi eq, %arg0, %eq3A : i32
    %convert_element_type3A = arith.extui %eq3A_201 : i1 to i32
    %cond3A = arith.constant 0 : i32
    %cond3A_202 = arith.cmpi ne, %convert_element_type3A, %cond3A : i32
    scf.if %cond3A_202 {
      %dma_start3A_208 = arith.constant 0 : i32
      %dma_start3A_209 = arith.constant 0 : i32
      %dma_start3A_210 = arith.constant 0 : i32
      %dma_start3A_211 = arith.constant 0 : i32
      %dma_start3A_212 = tpu.memref_slice %arg13[%dma_start3A_209, %dma_start3A_210, %dma_start3A_211] : memref<4x128x64xbf16, #tpu.memory_space<vmem>> -> memref<1x128x64xbf16, #tpu.memory_space<vmem>>
      %dma_start3A_213 = tpu.memref_squeeze %dma_start3A_212 : memref<1x128x64xbf16, #tpu.memory_space<vmem>> -> memref<128x64xbf16, #tpu.memory_space<vmem>>
      %dma_start3A_214 = arith.constant 0 : i32
      %dma_start3A_215 = tpu.memref_slice %arg12[%dma_start3A_208, %dma_start3A_214] : memref<2x128xi32, #tpu.memory_space<vmem>> -> memref<1x128xi32, #tpu.memory_space<vmem>>
      %dma_start3A_216 = tpu.memref_squeeze %dma_start3A_215 : memref<1x128xi32, #tpu.memory_space<vmem>> -> memref<128xi32, #tpu.memory_space<vmem>>
      %dma_start3A_217 = arith.constant 0 : i32
      %dma_start3A_218 = arith.constant 0 : i32
      %dma_start3A_219 = tpu.memref_slice %arg18[%dma_start3A_217, %dma_start3A_218] : memref<10240x64xbf16, #tpu.memory_space<vmem_shared>> -> memref<10240x64xbf16, #tpu.memory_space<vmem_shared>>
      tpu.enqueue_indirect_dma source(%dma_start3A_219 : memref<10240x64xbf16, #tpu.memory_space<vmem_shared>>) target(%dma_start3A_213 : memref<128x64xbf16, #tpu.memory_space<vmem>>) offsets(%dma_start3A_216 : memref<128xi32, #tpu.memory_space<vmem>>) semaphore(%arg19 : memref<!tpu.dma_semaphore, #tpu.memory_space<semaphore_mem>>)
      %dma_start3A_220 = arith.constant 1 : i32
      %dma_start3A_221 = arith.constant 1 : i32
      %dma_start3A_222 = arith.constant 0 : i32
      %dma_start3A_223 = arith.constant 0 : i32
      %dma_start3A_224 = tpu.memref_slice %arg13[%dma_start3A_221, %dma_start3A_222, %dma_start3A_223] : memref<4x128x64xbf16, #tpu.memory_space<vmem>> -> memref<1x128x64xbf16, #tpu.memory_space<vmem>>
      %dma_start3A_225 = tpu.memref_squeeze %dma_start3A_224 : memref<1x128x64xbf16, #tpu.memory_space<vmem>> -> memref<128x64xbf16, #tpu.memory_space<vmem>>
      %dma_start3A_226 = arith.constant 0 : i32
      %dma_start3A_227 = tpu.memref_slice %arg12[%dma_start3A_220, %dma_start3A_226] : memref<2x128xi32, #tpu.memory_space<vmem>> -> memref<1x128xi32, #tpu.memory_space<vmem>>
      %dma_start3A_228 = tpu.memref_squeeze %dma_start3A_227 : memref<1x128xi32, #tpu.memory_space<vmem>> -> memref<128xi32, #tpu.memory_space<vmem>>
      %dma_start3A_229 = arith.constant 0 : i32
      %dma_start3A_230 = arith.constant 0 : i32
      %dma_start3A_231 = tpu.memref_slice %arg18[%dma_start3A_229, %dma_start3A_230] : memref<10240x64xbf16, #tpu.memory_space<vmem_shared>> -> memref<10240x64xbf16, #tpu.memory_space<vmem_shared>>
      tpu.enqueue_indirect_dma source(%dma_start3A_231 : memref<10240x64xbf16, #tpu.memory_space<vmem_shared>>) target(%dma_start3A_225 : memref<128x64xbf16, #tpu.memory_space<vmem>>) offsets(%dma_start3A_228 : memref<128xi32, #tpu.memory_space<vmem>>) semaphore(%arg19 : memref<!tpu.dma_semaphore, #tpu.memory_space<semaphore_mem>>)
      %dma_wait3A_232 = arith.constant 0 : i32
      %dma_wait3A_233 = arith.constant 0 : i32
      %dma_wait3A_234 = arith.constant 0 : i32
      %dma_wait3A_235 = arith.constant 0 : i32
      %dma_wait3A_236 = tpu.memref_slice %arg14[%dma_wait3A_233, %dma_wait3A_234, %dma_wait3A_235] : memref<2x128x64xbf16, #tpu.memory_space<vmem>> -> memref<1x128x64xbf16, #tpu.memory_space<vmem>>
      %dma_wait3A_237 = tpu.memref_squeeze %dma_wait3A_236 : memref<1x128x64xbf16, #tpu.memory_space<vmem>> -> memref<128x64xbf16, #tpu.memory_space<vmem>>
      %dma_wait3A_238 = arith.constant 0 : i32
      %dma_wait3A_239 = tpu.memref_slice %arg12[%dma_wait3A_232, %dma_wait3A_238] : memref<2x128xi32, #tpu.memory_space<vmem>> -> memref<1x128xi32, #tpu.memory_space<vmem>>
      %dma_wait3A_240 = tpu.memref_squeeze %dma_wait3A_239 : memref<1x128xi32, #tpu.memory_space<vmem>> -> memref<128xi32, #tpu.memory_space<vmem>>
      %dma_wait3A_241 = arith.constant 0 : i32
      %dma_wait3A_242 = arith.constant 0 : i32
      %dma_wait3A_243 = tpu.memref_slice %arg17[%dma_wait3A_241, %dma_wait3A_242] : memref<10240x64xbf16, #tpu.memory_space<vmem_shared>> -> memref<10240x64xbf16, #tpu.memory_space<vmem_shared>>
      tpu.wait_indirect_dma semaphore(%arg19 : memref<!tpu.dma_semaphore, #tpu.memory_space<semaphore_mem>>) src(%dma_wait3A_243 : memref<10240x64xbf16, #tpu.memory_space<vmem_shared>>) dst(%dma_wait3A_237 : memref<128x64xbf16, #tpu.memory_space<vmem>>)
      %dma_wait3A_244 = arith.constant 0 : i32
      %dma_wait3A_245 = arith.constant 0 : i32
      %dma_wait3A_246 = arith.constant 0 : i32
      %dma_wait3A_247 = arith.constant 0 : i32
      %dma_wait3A_248 = tpu.memref_slice %arg13[%dma_wait3A_245, %dma_wait3A_246, %dma_wait3A_247] : memref<4x128x64xbf16, #tpu.memory_space<vmem>> -> memref<1x128x64xbf16, #tpu.memory_space<vmem>>
      %dma_wait3A_249 = tpu.memref_squeeze %dma_wait3A_248 : memref<1x128x64xbf16, #tpu.memory_space<vmem>> -> memref<128x64xbf16, #tpu.memory_space<vmem>>
      %dma_wait3A_250 = arith.constant 0 : i32
      %dma_wait3A_251 = tpu.memref_slice %arg12[%dma_wait3A_244, %dma_wait3A_250] : memref<2x128xi32, #tpu.memory_space<vmem>> -> memref<1x128xi32, #tpu.memory_space<vmem>>
      %dma_wait3A_252 = tpu.memref_squeeze %dma_wait3A_251 : memref<1x128xi32, #tpu.memory_space<vmem>> -> memref<128xi32, #tpu.memory_space<vmem>>
      %dma_wait3A_253 = arith.constant 0 : i32
      %dma_wait3A_254 = arith.constant 0 : i32
      %dma_wait3A_255 = tpu.memref_slice %arg18[%dma_wait3A_253, %dma_wait3A_254] : memref<10240x64xbf16, #tpu.memory_space<vmem_shared>> -> memref<10240x64xbf16, #tpu.memory_space<vmem_shared>>
      tpu.wait_indirect_dma semaphore(%arg19 : memref<!tpu.dma_semaphore, #tpu.memory_space<semaphore_mem>>) src(%dma_wait3A_255 : memref<10240x64xbf16, #tpu.memory_space<vmem_shared>>) dst(%dma_wait3A_249 : memref<128x64xbf16, #tpu.memory_space<vmem>>)
      %dma_wait3A_256 = arith.constant 1 : i32
      %dma_wait3A_257 = arith.constant 1 : i32
      %dma_wait3A_258 = arith.constant 0 : i32
      %dma_wait3A_259 = arith.constant 0 : i32
      %dma_wait3A_260 = tpu.memref_slice %arg14[%dma_wait3A_257, %dma_wait3A_258, %dma_wait3A_259] : memref<2x128x64xbf16, #tpu.memory_space<vmem>> -> memref<1x128x64xbf16, #tpu.memory_space<vmem>>
      %dma_wait3A_261 = tpu.memref_squeeze %dma_wait3A_260 : memref<1x128x64xbf16, #tpu.memory_space<vmem>> -> memref<128x64xbf16, #tpu.memory_space<vmem>>
      %dma_wait3A_262 = arith.constant 0 : i32
      %dma_wait3A_263 = tpu.memref_slice %arg12[%dma_wait3A_256, %dma_wait3A_262] : memref<2x128xi32, #tpu.memory_space<vmem>> -> memref<1x128xi32, #tpu.memory_space<vmem>>
      %dma_wait3A_264 = tpu.memref_squeeze %dma_wait3A_263 : memref<1x128xi32, #tpu.memory_space<vmem>> -> memref<128xi32, #tpu.memory_space<vmem>>
      %dma_wait3A_265 = arith.constant 0 : i32
      %dma_wait3A_266 = arith.constant 0 : i32
      %dma_wait3A_267 = tpu.memref_slice %arg17[%dma_wait3A_265, %dma_wait3A_266] : memref<10240x64xbf16, #tpu.memory_space<vmem_shared>> -> memref<10240x64xbf16, #tpu.memory_space<vmem_shared>>
      tpu.wait_indirect_dma semaphore(%arg19 : memref<!tpu.dma_semaphore, #tpu.memory_space<semaphore_mem>>) src(%dma_wait3A_267 : memref<10240x64xbf16, #tpu.memory_space<vmem_shared>>) dst(%dma_wait3A_261 : memref<128x64xbf16, #tpu.memory_space<vmem>>)
      %dma_wait3A_268 = arith.constant 1 : i32
      %dma_wait3A_269 = arith.constant 1 : i32
      %dma_wait3A_270 = arith.constant 0 : i32
      %dma_wait3A_271 = arith.constant 0 : i32
      %dma_wait3A_272 = tpu.memref_slice %arg13[%dma_wait3A_269, %dma_wait3A_270, %dma_wait3A_271] : memref<4x128x64xbf16, #tpu.memory_space<vmem>> -> memref<1x128x64xbf16, #tpu.memory_space<vmem>>
      %dma_wait3A_273 = tpu.memref_squeeze %dma_wait3A_272 : memref<1x128x64xbf16, #tpu.memory_space<vmem>> -> memref<128x64xbf16, #tpu.memory_space<vmem>>
      %dma_wait3A_274 = arith.constant 0 : i32
      %dma_wait3A_275 = tpu.memref_slice %arg12[%dma_wait3A_268, %dma_wait3A_274] : memref<2x128xi32, #tpu.memory_space<vmem>> -> memref<1x128xi32, #tpu.memory_space<vmem>>
      %dma_wait3A_276 = tpu.memref_squeeze %dma_wait3A_275 : memref<1x128xi32, #tpu.memory_space<vmem>> -> memref<128xi32, #tpu.memory_space<vmem>>
      %dma_wait3A_277 = arith.constant 0 : i32
      %dma_wait3A_278 = arith.constant 0 : i32
      %dma_wait3A_279 = tpu.memref_slice %arg18[%dma_wait3A_277, %dma_wait3A_278] : memref<10240x64xbf16, #tpu.memory_space<vmem_shared>> -> memref<10240x64xbf16, #tpu.memory_space<vmem_shared>>
      tpu.wait_indirect_dma semaphore(%arg19 : memref<!tpu.dma_semaphore, #tpu.memory_space<semaphore_mem>>) src(%dma_wait3A_279 : memref<10240x64xbf16, #tpu.memory_space<vmem_shared>>) dst(%dma_wait3A_273 : memref<128x64xbf16, #tpu.memory_space<vmem>>)
      %scan3A_280 = arith.constant 0 : i32
      %scan3A_281 = arith.constant 0 : i32
      %scan3A_282 = arith.constant 128 : i32
      %scan3A_283 = arith.addi %scan3A_281, %scan3A_282 : i32
      %scan3A_284 = arith.constant 1 : i32
      %scan3A_285 = scf.for %scan3A_296 = %scan3A_281 to %scan3A_283 step %scan3A_284 iter_args(%scan3A_297 = %scan3A_280) -> (i32)  : i32 {
        %scan3A_298 = arith.constant 0 : i32
        %scan3A_299 = arith.constant 0 : i32
        %scan3A_300 = arith.constant 2 : i32
        %scan3A_301 = arith.addi %scan3A_299, %scan3A_300 : i32
        %scan3A_302 = arith.constant 1 : i32
        %scan3A_303 = scf.for %scan3A_313 = %scan3A_299 to %scan3A_301 step %scan3A_302 iter_args(%scan3A_314 = %scan3A_298) -> (i32)  : i32 {
          %mul3A_315 = arith.constant 2 : i32
          %mul3A_316 = arith.muli %scan3A_313, %mul3A_315 : i32
          %mul3A_317 = arith.constant 16 : i32
          %mul3A_318 = arith.muli %mul3A_316, %mul3A_317 : i32
          %get3A = arith.constant 0 : i32
          %get3A_319 = arith.index_cast %get3A : i32 to index
          %get3A_320 = arith.index_cast %scan3A_296 : i32 to index
          %get3A_321 = arith.index_cast %mul3A_318 : i32 to index
          %get3A_322 = tpu.vector_load %arg14[%get3A_319, %get3A_320, %get3A_321] {strides = array<i32>} : memref<2x128x64xbf16, #tpu.memory_space<vmem>>, vector<1x1x32xbf16>,
          %get3A_323 = vector.shape_cast %get3A_322 : vector<1x1x32xbf16> to vector<32xbf16>
          %get3A_324 = arith.constant 0 : i32
          %get3A_325 = arith.index_cast %get3A_324 : i32 to index
          %get3A_326 = arith.index_cast %scan3A_296 : i32 to index
          %get3A_327 = arith.index_cast %mul3A_318 : i32 to index
          %get3A_328 = tpu.vector_load %arg13[%get3A_325, %get3A_326, %get3A_327] {strides = array<i32>} : memref<4x128x64xbf16, #tpu.memory_space<vmem>>, vector<1x1x32xbf16>,
          %get3A_329 = vector.shape_cast %get3A_328 : vector<1x1x32xbf16> to vector<32xbf16>
          %add3A_330 = arith.addf %get3A_323, %get3A_329 : vector<32xbf16>
          %swap3A = arith.constant 0 : i32
          %swap3A_331 = arith.index_cast %swap3A : i32 to index
          %swap3A_332 = arith.index_cast %scan3A_296 : i32 to index
          %swap3A_333 = arith.index_cast %mul3A_318 : i32 to index
          %swap3A_334 = tpu.vector_load %arg14[%swap3A_331, %swap3A_332, %swap3A_333] {strides = array<i32>} : memref<2x128x64xbf16, #tpu.memory_space<vmem>>, vector<1x1x32xbf16>,
          %swap3A_335 = vector.shape_cast %swap3A_334 : vector<1x1x32xbf16> to vector<32xbf16>
          %swap3A_336 = vector.shape_cast %add3A_330 : vector<32xbf16> to vector<1x1x32xbf16>
          tpu.vector_store %arg14[%swap3A_331, %swap3A_332, %swap3A_333], %swap3A_336 {strides = array<i32>} : memref<2x128x64xbf16, #tpu.memory_space<vmem>>, vector<1x1x32xbf16>,
          %scan3A_337 = arith.constant 0 : i32
          scf.yield %scan3A_337 : i32
        }
        %scan3A_304 = arith.constant 2 : i32
        %scan3A_305 = arith.constant 0 : i32
        %scan3A_306 = arith.constant 0 : i32
        %scan3A_307 = arith.constant 2 : i32
        %scan3A_308 = arith.addi %scan3A_306, %scan3A_307 : i32
        %scan3A_309 = arith.constant 1 : i32
        %scan3A_310 = scf.for %scan3A_313 = %scan3A_306 to %scan3A_308 step %scan3A_309 iter_args(%scan3A_314 = %scan3A_305) -> (i32)  : i32 {
          %mul3A_315 = arith.constant 2 : i32
          %mul3A_316 = arith.muli %scan3A_313, %mul3A_315 : i32
          %mul3A_317 = arith.constant 16 : i32
          %mul3A_318 = arith.muli %mul3A_316, %mul3A_317 : i32
          %get3A = arith.constant 1 : i32
          %get3A_319 = arith.index_cast %get3A : i32 to index
          %get3A_320 = arith.index_cast %scan3A_296 : i32 to index
          %get3A_321 = arith.index_cast %mul3A_318 : i32 to index
          %get3A_322 = tpu.vector_load %arg14[%get3A_319, %get3A_320, %get3A_321] {strides = array<i32>} : memref<2x128x64xbf16, #tpu.memory_space<vmem>>, vector<1x1x32xbf16>,
          %get3A_323 = vector.shape_cast %get3A_322 : vector<1x1x32xbf16> to vector<32xbf16>
          %get3A_324 = arith.constant 1 : i32
          %get3A_325 = arith.index_cast %get3A_324 : i32 to index
          %get3A_326 = arith.index_cast %scan3A_296 : i32 to index
          %get3A_327 = arith.index_cast %mul3A_318 : i32 to index
          %get3A_328 = tpu.vector_load %arg13[%get3A_325, %get3A_326, %get3A_327] {strides = array<i32>} : memref<4x128x64xbf16, #tpu.memory_space<vmem>>, vector<1x1x32xbf16>,
          %get3A_329 = vector.shape_cast %get3A_328 : vector<1x1x32xbf16> to vector<32xbf16>
          %add3A_330 = arith.addf %get3A_323, %get3A_329 : vector<32xbf16>
          %swap3A = arith.constant 1 : i32
          %swap3A_331 = arith.index_cast %swap3A : i32 to index
          %swap3A_332 = arith.index_cast %scan3A_296 : i32 to index
          %swap3A_333 = arith.index_cast %mul3A_318 : i32 to index
          %swap3A_334 = tpu.vector_load %arg14[%swap3A_331, %swap3A_332, %swap3A_333] {strides = array<i32>} : memref<2x128x64xbf16, #tpu.memory_space<vmem>>, vector<1x1x32xbf16>,
          %swap3A_335 = vector.shape_cast %swap3A_334 : vector<1x1x32xbf16> to vector<32xbf16>
          %swap3A_336 = vector.shape_cast %add3A_330 : vector<32xbf16> to vector<1x1x32xbf16>
          tpu.vector_store %arg14[%swap3A_331, %swap3A_332, %swap3A_333], %swap3A_336 {strides = array<i32>} : memref<2x128x64xbf16, #tpu.memory_space<vmem>>, vector<1x1x32xbf16>,
          %scan3A_337 = arith.constant 0 : i32
          scf.yield %scan3A_337 : i32
        }
        %scan3A_311 = arith.constant 2 : i32
        %scan3A_312 = arith.constant 0 : i32
        scf.yield %scan3A_312 : i32
      }
      %scan3A_286 = arith.constant 128 : i32
      %mul3A_287 = arith.constant 256 : i32
      %mul3A_288 = arith.muli %arg1, %mul3A_287 : i32
      %add3A_289 = arith.constant 0 : i32
      %add3A_290 = arith.addi %mul3A_288, %add3A_289 : i32
      %run_scoped3A = arith.constant 0 : i32
      "tpu.region"() ({
        %run_scoped3A_296 = tpu.sem_alloc : memref<!tpu.dma_semaphore, #tpu.memory_space<semaphore_mem>>
        %dma_start3A_297 = arith.constant 0 : i32
        %dma_start3A_298 = arith.constant 0 : i32
        %dma_start3A_299 = tpu.memref_slice %arg14[%run_scoped3A, %dma_start3A_297, %dma_start3A_298] : memref<2x128x64xbf16, #tpu.memory_space<vmem>> -> memref<1x128x64xbf16, #tpu.memory_space<vmem>>
        %dma_start3A_300 = tpu.memref_squeeze %dma_start3A_299 : memref<1x128x64xbf16, #tpu.memory_space<vmem>> -> memref<128x64xbf16, #tpu.memory_space<vmem>>
        %dma_start3A_301 = arith.constant 0 : i32
        %dma_start3A_302 = tpu.memref_slice %arg7[%add3A_290, %dma_start3A_301] : memref<4096x64xbf16, #tpu.memory_space<hbm>> -> memref<128x64xbf16, #tpu.memory_space<hbm>>
        %dma_start3A_303 = arith.constant 0 : i32
        %dma_start3A_304 = tpu.memref_slice %arg7[%add3A_290, %dma_start3A_303] : memref<4096x64xbf16, #tpu.memory_space<hbm>> -> memref<128x64xbf16, #tpu.memory_space<hbm>>
        %dma_start3A_305 = arith.constant 0 : i32
        %dma_start3A_306 = arith.constant 0 : i32
        %dma_start3A_307 = tpu.memref_slice %arg14[%run_scoped3A, %dma_start3A_305, %dma_start3A_306] : memref<2x128x64xbf16, #tpu.memory_space<vmem>> -> memref<1x128x64xbf16, #tpu.memory_space<vmem>>
        %dma_start3A_308 = tpu.memref_squeeze %dma_start3A_307 : memref<1x128x64xbf16, #tpu.memory_space<vmem>> -> memref<128x64xbf16, #tpu.memory_space<vmem>>
        tpu.enqueue_dma source(%dma_start3A_308 : memref<128x64xbf16, #tpu.memory_space<vmem>>) target(%dma_start3A_304 : memref<128x64xbf16, #tpu.memory_space<hbm>>) target_semaphore(%run_scoped3A_296 : memref<!tpu.dma_semaphore, #tpu.memory_space<semaphore_mem>>)
        %dma_wait3A_309 = arith.constant 0 : i32
        %dma_wait3A_310 = arith.constant 0 : i32
        %dma_wait3A_311 = tpu.memref_slice %arg14[%run_scoped3A, %dma_wait3A_309, %dma_wait3A_310] : memref<2x128x64xbf16, #tpu.memory_space<vmem>> -> memref<1x128x64xbf16, #tpu.memory_space<vmem>>
        %dma_wait3A_312 = tpu.memref_squeeze %dma_wait3A_311 : memref<1x128x64xbf16, #tpu.memory_space<vmem>> -> memref<128x64xbf16, #tpu.memory_space<vmem>>
        %dma_wait3A_313 = arith.constant 0 : i32
        %dma_wait3A_314 = tpu.memref_slice %arg7[%add3A_290, %dma_wait3A_313] : memref<4096x64xbf16, #tpu.memory_space<hbm>> -> memref<128x64xbf16, #tpu.memory_space<hbm>>
        %dma_wait3A_315 = arith.constant 0 : i32
        %dma_wait3A_316 = tpu.memref_slice %arg7[%add3A_290, %dma_wait3A_315] : memref<4096x64xbf16, #tpu.memory_space<hbm>> -> memref<128x64xbf16, #tpu.memory_space<hbm>>
        %dma_wait3A_317 = arith.constant 0 : i32
        %dma_wait3A_318 = arith.constant 0 : i32
        %dma_wait3A_319 = tpu.memref_slice %arg14[%run_scoped3A, %dma_wait3A_317, %dma_wait3A_318] : memref<2x128x64xbf16, #tpu.memory_space<vmem>> -> memref<1x128x64xbf16, #tpu.memory_space<vmem>>
        %dma_wait3A_320 = tpu.memref_squeeze %dma_wait3A_319 : memref<1x128x64xbf16, #tpu.memory_space<vmem>> -> memref<128x64xbf16, #tpu.memory_space<vmem>>
        tpu.wait_dma2 semaphore(%run_scoped3A_296 : memref<!tpu.dma_semaphore, #tpu.memory_space<semaphore_mem>>) src(%dma_wait3A_320 : memref<128x64xbf16, #tpu.memory_space<vmem>>) dst(%dma_wait3A_316 : memref<128x64xbf16, #tpu.memory_space<hbm>>)
        tpu.yield
      }) : () -> ()
      %mul3A_291 = arith.constant 256 : i32
      %mul3A_292 = arith.muli %arg1, %mul3A_291 : i32
      %add3A_293 = arith.constant 128 : i32
      %add3A_294 = arith.addi %mul3A_292, %add3A_293 : i32
      %run_scoped3A_295 = arith.constant 1 : i32
      "tpu.region"() ({
        %run_scoped3A_296 = tpu.sem_alloc : memref<!tpu.dma_semaphore, #tpu.memory_space<semaphore_mem>>
        %dma_start3A_297 = arith.constant 0 : i32
        %dma_start3A_298 = arith.constant 0 : i32
        %dma_start3A_299 = tpu.memref_slice %arg14[%run_scoped3A_295, %dma_start3A_297, %dma_start3A_298] : memref<2x128x64xbf16, #tpu.memory_space<vmem>> -> memref<1x128x64xbf16, #tpu.memory_space<vmem>>
        %dma_start3A_300 = tpu.memref_squeeze %dma_start3A_299 : memref<1x128x64xbf16, #tpu.memory_space<vmem>> -> memref<128x64xbf16, #tpu.memory_space<vmem>>
        %dma_start3A_301 = arith.constant 0 : i32
        %dma_start3A_302 = tpu.memref_slice %arg7[%add3A_294, %dma_start3A_301] : memref<4096x64xbf16, #tpu.memory_space<hbm>> -> memref<128x64xbf16, #tpu.memory_space<hbm>>
        %dma_start3A_303 = arith.constant 0 : i32
        %dma_start3A_304 = tpu.memref_slice %arg7[%add3A_294, %dma_start3A_303] : memref<4096x64xbf16, #tpu.memory_space<hbm>> -> memref<128x64xbf16, #tpu.memory_space<hbm>>
        %dma_start3A_305 = arith.constant 0 : i32
        %dma_start3A_306 = arith.constant 0 : i32
        %dma_start3A_307 = tpu.memref_slice %arg14[%run_scoped3A_295, %dma_start3A_305, %dma_start3A_306] : memref<2x128x64xbf16, #tpu.memory_space<vmem>> -> memref<1x128x64xbf16, #tpu.memory_space<vmem>>
        %dma_start3A_308 = tpu.memref_squeeze %dma_start3A_307 : memref<1x128x64xbf16, #tpu.memory_space<vmem>> -> memref<128x64xbf16, #tpu.memory_space<vmem>>
        tpu.enqueue_dma source(%dma_start3A_308 : memref<128x64xbf16, #tpu.memory_space<vmem>>) target(%dma_start3A_304 : memref<128x64xbf16, #tpu.memory_space<hbm>>) target_semaphore(%run_scoped3A_296 : memref<!tpu.dma_semaphore, #tpu.memory_space<semaphore_mem>>)
        %dma_wait3A_309 = arith.constant 0 : i32
        %dma_wait3A_310 = arith.constant 0 : i32
        %dma_wait3A_311 = tpu.memref_slice %arg14[%run_scoped3A_295, %dma_wait3A_309, %dma_wait3A_310] : memref<2x128x64xbf16, #tpu.memory_space<vmem>> -> memref<1x128x64xbf16, #tpu.memory_space<vmem>>
        %dma_wait3A_312 = tpu.memref_squeeze %dma_wait3A_311 : memref<1x128x64xbf16, #tpu.memory_space<vmem>> -> memref<128x64xbf16, #tpu.memory_space<vmem>>
        %dma_wait3A_313 = arith.constant 0 : i32
        %dma_wait3A_314 = tpu.memref_slice %arg7[%add3A_294, %dma_wait3A_313] : memref<4096x64xbf16, #tpu.memory_space<hbm>> -> memref<128x64xbf16, #tpu.memory_space<hbm>>
        %dma_wait3A_315 = arith.constant 0 : i32
        %dma_wait3A_316 = tpu.memref_slice %arg7[%add3A_294, %dma_wait3A_315] : memref<4096x64xbf16, #tpu.memory_space<hbm>> -> memref<128x64xbf16, #tpu.memory_space<hbm>>
        %dma_wait3A_317 = arith.constant 0 : i32
        %dma_wait3A_318 = arith.constant 0 : i32
        %dma_wait3A_319 = tpu.memref_slice %arg14[%run_scoped3A_295, %dma_wait3A_317, %dma_wait3A_318] : memref<2x128x64xbf16, #tpu.memory_space<vmem>> -> memref<1x128x64xbf16, #tpu.memory_space<vmem>>
        %dma_wait3A_320 = tpu.memref_squeeze %dma_wait3A_319 : memref<1x128x64xbf16, #tpu.memory_space<vmem>> -> memref<128x64xbf16, #tpu.memory_space<vmem>>
        tpu.wait_dma2 semaphore(%run_scoped3A_296 : memref<!tpu.dma_semaphore, #tpu.memory_space<semaphore_mem>>) src(%dma_wait3A_320 : memref<128x64xbf16, #tpu.memory_space<vmem>>) dst(%dma_wait3A_316 : memref<128x64xbf16, #tpu.memory_space<hbm>>)
        tpu.yield
      }) : () -> ()
    } else {
    }
    %eq3A_203 = arith.constant 1 : i32
    %eq3A_204 = arith.cmpi eq, %arg0, %eq3A_203 : i32
    %convert_element_type3A_205 = arith.extui %eq3A_204 : i1 to i32
    %cond3A_206 = arith.constant 0 : i32
    %cond3A_207 = arith.cmpi ne, %convert_element_type3A_205, %cond3A_206 : i32
    scf.if %cond3A_207 {
      %dma_start3A_208 = arith.constant 0 : i32
      %dma_start3A_209 = arith.constant 0 : i32
      %dma_start3A_210 = arith.constant 0 : i32
      %dma_start3A_211 = tpu.memref_slice %arg15[%dma_start3A_209, %dma_start3A_210] : memref<2x128xf32, #tpu.memory_space<vmem>> -> memref<1x128xf32, #tpu.memory_space<vmem>>
      %dma_start3A_212 = tpu.memref_squeeze %dma_start3A_211 : memref<1x128xf32, #tpu.memory_space<vmem>> -> memref<128xf32, #tpu.memory_space<vmem>>
      %dma_start3A_213 = arith.constant 0 : i32
      %dma_start3A_214 = tpu.memref_slice %arg12[%dma_start3A_208, %dma_start3A_213] : memref<2x128xi32, #tpu.memory_space<vmem>> -> memref<1x128xi32, #tpu.memory_space<vmem>>
      %dma_start3A_215 = tpu.memref_squeeze %dma_start3A_214 : memref<1x128xi32, #tpu.memory_space<vmem>> -> memref<128xi32, #tpu.memory_space<vmem>>
      %dma_start3A_216 = arith.constant 0 : i32
      %dma_start3A_217 = tpu.memref_slice %arg5[%dma_start3A_216] : memref<10240xf32, #tpu.memory_space<hbm>> -> memref<10240xf32, #tpu.memory_space<hbm>>
      tpu.enqueue_indirect_dma source(%dma_start3A_217 : memref<10240xf32, #tpu.memory_space<hbm>>) target(%dma_start3A_212 : memref<128xf32, #tpu.memory_space<vmem>>) offsets(%dma_start3A_215 : memref<128xi32, #tpu.memory_space<vmem>>) semaphore(%arg20 : memref<!tpu.dma_semaphore, #tpu.memory_space<semaphore_mem>>)
      %dma_start3A_218 = arith.constant 0 : i32
      %dma_start3A_219 = arith.constant 0 : i32
      %dma_start3A_220 = arith.constant 0 : i32
      %dma_start3A_221 = tpu.memref_slice %arg16[%dma_start3A_219, %dma_start3A_220] : memref<2x128xf32, #tpu.memory_space<vmem>> -> memref<1x128xf32, #tpu.memory_space<vmem>>
      %dma_start3A_222 = tpu.memref_squeeze %dma_start3A_221 : memref<1x128xf32, #tpu.memory_space<vmem>> -> memref<128xf32, #tpu.memory_space<vmem>>
      %dma_start3A_223 = arith.constant 0 : i32
      %dma_start3A_224 = tpu.memref_slice %arg12[%dma_start3A_218, %dma_start3A_223] : memref<2x128xi32, #tpu.memory_space<vmem>> -> memref<1x128xi32, #tpu.memory_space<vmem>>
      %dma_start3A_225 = tpu.memref_squeeze %dma_start3A_224 : memref<1x128xi32, #tpu.memory_space<vmem>> -> memref<128xi32, #tpu.memory_space<vmem>>
      %dma_start3A_226 = arith.constant 0 : i32
      %dma_start3A_227 = tpu.memref_slice %arg6[%dma_start3A_226] : memref<10240xf32, #tpu.memory_space<hbm>> -> memref<10240xf32, #tpu.memory_space<hbm>>
      tpu.enqueue_indirect_dma source(%dma_start3A_227 : memref<10240xf32, #tpu.memory_space<hbm>>) target(%dma_start3A_222 : memref<128xf32, #tpu.memory_space<vmem>>) offsets(%dma_start3A_225 : memref<128xi32, #tpu.memory_space<vmem>>) semaphore(%arg20 : memref<!tpu.dma_semaphore, #tpu.memory_space<semaphore_mem>>)
      %dma_start3A_228 = arith.constant 1 : i32
      %dma_start3A_229 = arith.constant 1 : i32
      %dma_start3A_230 = arith.constant 0 : i32
      %dma_start3A_231 = tpu.memref_slice %arg15[%dma_start3A_229, %dma_start3A_230] : memref<2x128xf32, #tpu.memory_space<vmem>> -> memref<1x128xf32, #tpu.memory_space<vmem>>
      %dma_start3A_232 = tpu.memref_squeeze %dma_start3A_231 : memref<1x128xf32, #tpu.memory_space<vmem>> -> memref<128xf32, #tpu.memory_space<vmem>>
      %dma_start3A_233 = arith.constant 0 : i32
      %dma_start3A_234 = tpu.memref_slice %arg12[%dma_start3A_228, %dma_start3A_233] : memref<2x128xi32, #tpu.memory_space<vmem>> -> memref<1x128xi32, #tpu.memory_space<vmem>>
      %dma_start3A_235 = tpu.memref_squeeze %dma_start3A_234 : memref<1x128xi32, #tpu.memory_space<vmem>> -> memref<128xi32, #tpu.memory_space<vmem>>
      %dma_start3A_236 = arith.constant 0 : i32
      %dma_start3A_237 = tpu.memref_slice %arg5[%dma_start3A_236] : memref<10240xf32, #tpu.memory_space<hbm>> -> memref<10240xf32, #tpu.memory_space<hbm>>
      tpu.enqueue_indirect_dma source(%dma_start3A_237 : memref<10240xf32, #tpu.memory_space<hbm>>) target(%dma_start3A_232 : memref<128xf32, #tpu.memory_space<vmem>>) offsets(%dma_start3A_235 : memref<128xi32, #tpu.memory_space<vmem>>) semaphore(%arg20 : memref<!tpu.dma_semaphore, #tpu.memory_space<semaphore_mem>>)
      %dma_start3A_238 = arith.constant 1 : i32
      %dma_start3A_239 = arith.constant 1 : i32
      %dma_start3A_240 = arith.constant 0 : i32
      %dma_start3A_241 = tpu.memref_slice %arg16[%dma_start3A_239, %dma_start3A_240] : memref<2x128xf32, #tpu.memory_space<vmem>> -> memref<1x128xf32, #tpu.memory_space<vmem>>
      %dma_start3A_242 = tpu.memref_squeeze %dma_start3A_241 : memref<1x128xf32, #tpu.memory_space<vmem>> -> memref<128xf32, #tpu.memory_space<vmem>>
      %dma_start3A_243 = arith.constant 0 : i32
      %dma_start3A_244 = tpu.memref_slice %arg12[%dma_start3A_238, %dma_start3A_243] : memref<2x128xi32, #tpu.memory_space<vmem>> -> memref<1x128xi32, #tpu.memory_space<vmem>>
      %dma_start3A_245 = tpu.memref_squeeze %dma_start3A_244 : memref<1x128xi32, #tpu.memory_space<vmem>> -> memref<128xi32, #tpu.memory_space<vmem>>
      %dma_start3A_246 = arith.constant 0 : i32
      %dma_start3A_247 = tpu.memref_slice %arg6[%dma_start3A_246] : memref<10240xf32, #tpu.memory_space<hbm>> -> memref<10240xf32, #tpu.memory_space<hbm>>
      tpu.enqueue_indirect_dma source(%dma_start3A_247 : memref<10240xf32, #tpu.memory_space<hbm>>) target(%dma_start3A_242 : memref<128xf32, #tpu.memory_space<vmem>>) offsets(%dma_start3A_245 : memref<128xi32, #tpu.memory_space<vmem>>) semaphore(%arg20 : memref<!tpu.dma_semaphore, #tpu.memory_space<semaphore_mem>>)
      %dma_wait3A_248 = arith.constant 0 : i32
      %dma_wait3A_249 = arith.constant 0 : i32
      %dma_wait3A_250 = arith.constant 0 : i32
      %dma_wait3A_251 = arith.constant 0 : i32
      %dma_wait3A_252 = tpu.memref_slice %arg14[%dma_wait3A_249, %dma_wait3A_250, %dma_wait3A_251] : memref<2x128x64xbf16, #tpu.memory_space<vmem>> -> memref<1x128x64xbf16, #tpu.memory_space<vmem>>
      %dma_wait3A_253 = tpu.memref_squeeze %dma_wait3A_252 : memref<1x128x64xbf16, #tpu.memory_space<vmem>> -> memref<128x64xbf16, #tpu.memory_space<vmem>>
      %dma_wait3A_254 = arith.constant 0 : i32
      %dma_wait3A_255 = tpu.memref_slice %arg12[%dma_wait3A_248, %dma_wait3A_254] : memref<2x128xi32, #tpu.memory_space<vmem>> -> memref<1x128xi32, #tpu.memory_space<vmem>>
      %dma_wait3A_256 = tpu.memref_squeeze %dma_wait3A_255 : memref<1x128xi32, #tpu.memory_space<vmem>> -> memref<128xi32, #tpu.memory_space<vmem>>
      %dma_wait3A_257 = arith.constant 0 : i32
      %dma_wait3A_258 = arith.constant 0 : i32
      %dma_wait3A_259 = tpu.memref_slice %arg17[%dma_wait3A_257, %dma_wait3A_258] : memref<10240x64xbf16, #tpu.memory_space<vmem_shared>> -> memref<10240x64xbf16, #tpu.memory_space<vmem_shared>>
      tpu.wait_indirect_dma semaphore(%arg19 : memref<!tpu.dma_semaphore, #tpu.memory_space<semaphore_mem>>) src(%dma_wait3A_259 : memref<10240x64xbf16, #tpu.memory_space<vmem_shared>>) dst(%dma_wait3A_253 : memref<128x64xbf16, #tpu.memory_space<vmem>>)
      %dma_wait3A_260 = arith.constant 0 : i32
      %dma_wait3A_261 = arith.constant 0 : i32
      %dma_wait3A_262 = arith.constant 0 : i32
      %dma_wait3A_263 = tpu.memref_slice %arg15[%dma_wait3A_261, %dma_wait3A_262] : memref<2x128xf32, #tpu.memory_space<vmem>> -> memref<1x128xf32, #tpu.memory_space<vmem>>
      %dma_wait3A_264 = tpu.memref_squeeze %dma_wait3A_263 : memref<1x128xf32, #tpu.memory_space<vmem>> -> memref<128xf32, #tpu.memory_space<vmem>>
      %dma_wait3A_265 = arith.constant 0 : i32
      %dma_wait3A_266 = tpu.memref_slice %arg12[%dma_wait3A_260, %dma_wait3A_265] : memref<2x128xi32, #tpu.memory_space<vmem>> -> memref<1x128xi32, #tpu.memory_space<vmem>>
      %dma_wait3A_267 = tpu.memref_squeeze %dma_wait3A_266 : memref<1x128xi32, #tpu.memory_space<vmem>> -> memref<128xi32, #tpu.memory_space<vmem>>
      %dma_wait3A_268 = arith.constant 0 : i32
      %dma_wait3A_269 = tpu.memref_slice %arg5[%dma_wait3A_268] : memref<10240xf32, #tpu.memory_space<hbm>> -> memref<10240xf32, #tpu.memory_space<hbm>>
      tpu.wait_indirect_dma semaphore(%arg20 : memref<!tpu.dma_semaphore, #tpu.memory_space<semaphore_mem>>) src(%dma_wait3A_269 : memref<10240xf32, #tpu.memory_space<hbm>>) dst(%dma_wait3A_264 : memref<128xf32, #tpu.memory_space<vmem>>)
      %dma_wait3A_270 = arith.constant 0 : i32
      %dma_wait3A_271 = arith.constant 0 : i32
      %dma_wait3A_272 = arith.constant 0 : i32
      %dma_wait3A_273 = tpu.memref_slice %arg16[%dma_wait3A_271, %dma_wait3A_272] : memref<2x128xf32, #tpu.memory_space<vmem>> -> memref<1x128xf32, #tpu.memory_space<vmem>>
      %dma_wait3A_274 = tpu.memref_squeeze %dma_wait3A_273 : memref<1x128xf32, #tpu.memory_space<vmem>> -> memref<128xf32, #tpu.memory_space<vmem>>
      %dma_wait3A_275 = arith.constant 0 : i32
      %dma_wait3A_276 = tpu.memref_slice %arg12[%dma_wait3A_270, %dma_wait3A_275] : memref<2x128xi32, #tpu.memory_space<vmem>> -> memref<1x128xi32, #tpu.memory_space<vmem>>
      %dma_wait3A_277 = tpu.memref_squeeze %dma_wait3A_276 : memref<1x128xi32, #tpu.memory_space<vmem>> -> memref<128xi32, #tpu.memory_space<vmem>>
      %dma_wait3A_278 = arith.constant 0 : i32
      %dma_wait3A_279 = tpu.memref_slice %arg6[%dma_wait3A_278] : memref<10240xf32, #tpu.memory_space<hbm>> -> memref<10240xf32, #tpu.memory_space<hbm>>
      tpu.wait_indirect_dma semaphore(%arg20 : memref<!tpu.dma_semaphore, #tpu.memory_space<semaphore_mem>>) src(%dma_wait3A_279 : memref<10240xf32, #tpu.memory_space<hbm>>) dst(%dma_wait3A_274 : memref<128xf32, #tpu.memory_space<vmem>>)
      %dma_wait3A_280 = arith.constant 1 : i32
      %dma_wait3A_281 = arith.constant 1 : i32
      %dma_wait3A_282 = arith.constant 0 : i32
      %dma_wait3A_283 = arith.constant 0 : i32
      %dma_wait3A_284 = tpu.memref_slice %arg14[%dma_wait3A_281, %dma_wait3A_282, %dma_wait3A_283] : memref<2x128x64xbf16, #tpu.memory_space<vmem>> -> memref<1x128x64xbf16, #tpu.memory_space<vmem>>
      %dma_wait3A_285 = tpu.memref_squeeze %dma_wait3A_284 : memref<1x128x64xbf16, #tpu.memory_space<vmem>> -> memref<128x64xbf16, #tpu.memory_space<vmem>>
      %dma_wait3A_286 = arith.constant 0 : i32
      %dma_wait3A_287 = tpu.memref_slice %arg12[%dma_wait3A_280, %dma_wait3A_286] : memref<2x128xi32, #tpu.memory_space<vmem>> -> memref<1x128xi32, #tpu.memory_space<vmem>>
      %dma_wait3A_288 = tpu.memref_squeeze %dma_wait3A_287 : memref<1x128xi32, #tpu.memory_space<vmem>> -> memref<128xi32, #tpu.memory_space<vmem>>
      %dma_wait3A_289 = arith.constant 0 : i32
      %dma_wait3A_290 = arith.constant 0 : i32
      %dma_wait3A_291 = tpu.memref_slice %arg17[%dma_wait3A_289, %dma_wait3A_290] : memref<10240x64xbf16, #tpu.memory_space<vmem_shared>> -> memref<10240x64xbf16, #tpu.memory_space<vmem_shared>>
      tpu.wait_indirect_dma semaphore(%arg19 : memref<!tpu.dma_semaphore, #tpu.memory_space<semaphore_mem>>) src(%dma_wait3A_291 : memref<10240x64xbf16, #tpu.memory_space<vmem_shared>>) dst(%dma_wait3A_285 : memref<128x64xbf16, #tpu.memory_space<vmem>>)
      %dma_wait3A_292 = arith.constant 1 : i32
      %dma_wait3A_293 = arith.constant 1 : i32
      %dma_wait3A_294 = arith.constant 0 : i32
      %dma_wait3A_295 = tpu.memref_slice %arg15[%dma_wait3A_293, %dma_wait3A_294] : memref<2x128xf32, #tpu.memory_space<vmem>> -> memref<1x128xf32, #tpu.memory_space<vmem>>
      %dma_wait3A_296 = tpu.memref_squeeze %dma_wait3A_295 : memref<1x128xf32, #tpu.memory_space<vmem>> -> memref<128xf32, #tpu.memory_space<vmem>>
      %dma_wait3A_297 = arith.constant 0 : i32
      %dma_wait3A_298 = tpu.memref_slice %arg12[%dma_wait3A_292, %dma_wait3A_297] : memref<2x128xi32, #tpu.memory_space<vmem>> -> memref<1x128xi32, #tpu.memory_space<vmem>>
      %dma_wait3A_299 = tpu.memref_squeeze %dma_wait3A_298 : memref<1x128xi32, #tpu.memory_space<vmem>> -> memref<128xi32, #tpu.memory_space<vmem>>
      %dma_wait3A_300 = arith.constant 0 : i32
      %dma_wait3A_301 = tpu.memref_slice %arg5[%dma_wait3A_300] : memref<10240xf32, #tpu.memory_space<hbm>> -> memref<10240xf32, #tpu.memory_space<hbm>>
      tpu.wait_indirect_dma semaphore(%arg20 : memref<!tpu.dma_semaphore, #tpu.memory_space<semaphore_mem>>) src(%dma_wait3A_301 : memref<10240xf32, #tpu.memory_space<hbm>>) dst(%dma_wait3A_296 : memref<128xf32, #tpu.memory_space<vmem>>)
      %dma_wait3A_302 = arith.constant 1 : i32
      %dma_wait3A_303 = arith.constant 1 : i32
      %dma_wait3A_304 = arith.constant 0 : i32
      %dma_wait3A_305 = tpu.memref_slice %arg16[%dma_wait3A_303, %dma_wait3A_304] : memref<2x128xf32, #tpu.memory_space<vmem>> -> memref<1x128xf32, #tpu.memory_space<vmem>>
      %dma_wait3A_306 = tpu.memref_squeeze %dma_wait3A_305 : memref<1x128xf32, #tpu.memory_space<vmem>> -> memref<128xf32, #tpu.memory_space<vmem>>
      %dma_wait3A_307 = arith.constant 0 : i32
      %dma_wait3A_308 = tpu.memref_slice %arg12[%dma_wait3A_302, %dma_wait3A_307] : memref<2x128xi32, #tpu.memory_space<vmem>> -> memref<1x128xi32, #tpu.memory_space<vmem>>
      %dma_wait3A_309 = tpu.memref_squeeze %dma_wait3A_308 : memref<1x128xi32, #tpu.memory_space<vmem>> -> memref<128xi32, #tpu.memory_space<vmem>>
      %dma_wait3A_310 = arith.constant 0 : i32
      %dma_wait3A_311 = tpu.memref_slice %arg6[%dma_wait3A_310] : memref<10240xf32, #tpu.memory_space<hbm>> -> memref<10240xf32, #tpu.memory_space<hbm>>
      tpu.wait_indirect_dma semaphore(%arg20 : memref<!tpu.dma_semaphore, #tpu.memory_space<semaphore_mem>>) src(%dma_wait3A_311 : memref<10240xf32, #tpu.memory_space<hbm>>) dst(%dma_wait3A_306 : memref<128xf32, #tpu.memory_space<vmem>>)
      %scan3A_312 = arith.constant 0 : i32
      %scan3A_313 = arith.constant 0 : i32
      %scan3A_314 = arith.constant 8 : i32
      %scan3A_315 = arith.addi %scan3A_313, %scan3A_314 : i32
      %scan3A_316 = arith.constant 1 : i32
      %scan3A_317 = scf.for %scan3A_330 = %scan3A_313 to %scan3A_315 step %scan3A_316 iter_args(%scan3A_331 = %scan3A_312) -> (i32)  : i32 {
        %mul3A_332 = arith.constant 16 : i32
        %mul3A_333 = arith.muli %scan3A_330, %mul3A_332 : i32
        %get3A = arith.constant 0 : i32
        %get3A_334 = arith.index_cast %get3A : i32 to index
        %get3A_335 = arith.index_cast %mul3A_333 : i32 to index
        %get3A_336 = tpu.vector_load %arg15[%get3A_334, %get3A_335] {strides = array<i32>} : memref<2x128xf32, #tpu.memory_space<vmem>>, vector<1x16xf32>,
        %get3A_337 = vector.shape_cast %get3A_336 : vector<1x16xf32> to vector<16xf32>
        %get3A_338 = arith.constant 0 : i32
        %get3A_339 = arith.index_cast %get3A_338 : i32 to index
        %get3A_340 = arith.index_cast %mul3A_333 : i32 to index
        %get3A_341 = tpu.vector_load %arg16[%get3A_339, %get3A_340] {strides = array<i32>} : memref<2x128xf32, #tpu.memory_space<vmem>>, vector<1x16xf32>,
        %get3A_342 = vector.shape_cast %get3A_341 : vector<1x16xf32> to vector<16xf32>
        %add3A_343 = arith.addf %get3A_337, %get3A_342 : vector<16xf32>
        %swap3A = arith.constant 0 : i32
        %swap3A_344 = arith.index_cast %swap3A : i32 to index
        %swap3A_345 = arith.index_cast %mul3A_333 : i32 to index
        %swap3A_346 = tpu.vector_load %arg15[%swap3A_344, %swap3A_345] {strides = array<i32>} : memref<2x128xf32, #tpu.memory_space<vmem>>, vector<1x16xf32>,
        %swap3A_347 = vector.shape_cast %swap3A_346 : vector<1x16xf32> to vector<16xf32>
        %swap3A_348 = vector.shape_cast %add3A_343 : vector<16xf32> to vector<1x16xf32>
        tpu.vector_store %arg15[%swap3A_344, %swap3A_345], %swap3A_348 {strides = array<i32>} : memref<2x128xf32, #tpu.memory_space<vmem>>, vector<1x16xf32>,
        %get3A_349 = arith.constant 1 : i32
        %get3A_350 = arith.index_cast %get3A_349 : i32 to index
        %get3A_351 = arith.index_cast %mul3A_333 : i32 to index
        %get3A_352 = tpu.vector_load %arg15[%get3A_350, %get3A_351] {strides = array<i32>} : memref<2x128xf32, #tpu.memory_space<vmem>>, vector<1x16xf32>,
        %get3A_353 = vector.shape_cast %get3A_352 : vector<1x16xf32> to vector<16xf32>
        %get3A_354 = arith.constant 1 : i32
        %get3A_355 = arith.index_cast %get3A_354 : i32 to index
        %get3A_356 = arith.index_cast %mul3A_333 : i32 to index
        %get3A_357 = tpu.vector_load %arg16[%get3A_355, %get3A_356] {strides = array<i32>} : memref<2x128xf32, #tpu.memory_space<vmem>>, vector<1x16xf32>,
        %get3A_358 = vector.shape_cast %get3A_357 : vector<1x16xf32> to vector<16xf32>
        %add3A_359 = arith.addf %get3A_353, %get3A_358 : vector<16xf32>
        %swap3A_360 = arith.constant 1 : i32
        %swap3A_361 = arith.index_cast %swap3A_360 : i32 to index
        %swap3A_362 = arith.index_cast %mul3A_333 : i32 to index
        %swap3A_363 = tpu.vector_load %arg15[%swap3A_361, %swap3A_362] {strides = array<i32>} : memref<2x128xf32, #tpu.memory_space<vmem>>, vector<1x16xf32>,
        %swap3A_364 = vector.shape_cast %swap3A_363 : vector<1x16xf32> to vector<16xf32>
        %swap3A_365 = vector.shape_cast %add3A_359 : vector<16xf32> to vector<1x16xf32>
        tpu.vector_store %arg15[%swap3A_361, %swap3A_362], %swap3A_365 {strides = array<i32>} : memref<2x128xf32, #tpu.memory_space<vmem>>, vector<1x16xf32>,
        %scan3A_366 = arith.constant 0 : i32
        scf.yield %scan3A_366 : i32
      }
      %scan3A_318 = arith.constant 8 : i32
      %mul3A_319 = arith.constant 256 : i32
      %mul3A_320 = arith.muli %arg1, %mul3A_319 : i32
      %add3A_321 = arith.constant 0 : i32
      %add3A_322 = arith.addi %mul3A_320, %add3A_321 : i32
      %run_scoped3A = arith.constant 0 : i32
      "tpu.region"() ({
        %run_scoped3A_330 = tpu.sem_alloc : memref<!tpu.dma_semaphore, #tpu.memory_space<semaphore_mem>>
        %dma_start3A_331 = arith.constant 0 : i32
        %dma_start3A_332 = arith.constant 0 : i32
        %dma_start3A_333 = tpu.memref_slice %arg14[%run_scoped3A, %dma_start3A_331, %dma_start3A_332] : memref<2x128x64xbf16, #tpu.memory_space<vmem>> -> memref<1x128x64xbf16, #tpu.memory_space<vmem>>
        %dma_start3A_334 = tpu.memref_squeeze %dma_start3A_333 : memref<1x128x64xbf16, #tpu.memory_space<vmem>> -> memref<128x64xbf16, #tpu.memory_space<vmem>>
        %dma_start3A_335 = arith.constant 0 : i32
        %dma_start3A_336 = tpu.memref_slice %arg8[%add3A_322, %dma_start3A_335] : memref<4096x64xbf16, #tpu.memory_space<hbm>> -> memref<128x64xbf16, #tpu.memory_space<hbm>>
        %dma_start3A_337 = arith.constant 0 : i32
        %dma_start3A_338 = tpu.memref_slice %arg8[%add3A_322, %dma_start3A_337] : memref<4096x64xbf16, #tpu.memory_space<hbm>> -> memref<128x64xbf16, #tpu.memory_space<hbm>>
        %dma_start3A_339 = arith.constant 0 : i32
        %dma_start3A_340 = arith.constant 0 : i32
        %dma_start3A_341 = tpu.memref_slice %arg14[%run_scoped3A, %dma_start3A_339, %dma_start3A_340] : memref<2x128x64xbf16, #tpu.memory_space<vmem>> -> memref<1x128x64xbf16, #tpu.memory_space<vmem>>
        %dma_start3A_342 = tpu.memref_squeeze %dma_start3A_341 : memref<1x128x64xbf16, #tpu.memory_space<vmem>> -> memref<128x64xbf16, #tpu.memory_space<vmem>>
        tpu.enqueue_dma source(%dma_start3A_342 : memref<128x64xbf16, #tpu.memory_space<vmem>>) target(%dma_start3A_338 : memref<128x64xbf16, #tpu.memory_space<hbm>>) target_semaphore(%run_scoped3A_330 : memref<!tpu.dma_semaphore, #tpu.memory_space<semaphore_mem>>)
        %dma_wait3A_343 = arith.constant 0 : i32
        %dma_wait3A_344 = arith.constant 0 : i32
        %dma_wait3A_345 = tpu.memref_slice %arg14[%run_scoped3A, %dma_wait3A_343, %dma_wait3A_344] : memref<2x128x64xbf16, #tpu.memory_space<vmem>> -> memref<1x128x64xbf16, #tpu.memory_space<vmem>>
        %dma_wait3A_346 = tpu.memref_squeeze %dma_wait3A_345 : memref<1x128x64xbf16, #tpu.memory_space<vmem>> -> memref<128x64xbf16, #tpu.memory_space<vmem>>
        %dma_wait3A_347 = arith.constant 0 : i32
        %dma_wait3A_348 = tpu.memref_slice %arg8[%add3A_322, %dma_wait3A_347] : memref<4096x64xbf16, #tpu.memory_space<hbm>> -> memref<128x64xbf16, #tpu.memory_space<hbm>>
        %dma_wait3A_349 = arith.constant 0 : i32
        %dma_wait3A_350 = tpu.memref_slice %arg8[%add3A_322, %dma_wait3A_349] : memref<4096x64xbf16, #tpu.memory_space<hbm>> -> memref<128x64xbf16, #tpu.memory_space<hbm>>
        %dma_wait3A_351 = arith.constant 0 : i32
        %dma_wait3A_352 = arith.constant 0 : i32
        %dma_wait3A_353 = tpu.memref_slice %arg14[%run_scoped3A, %dma_wait3A_351, %dma_wait3A_352] : memref<2x128x64xbf16, #tpu.memory_space<vmem>> -> memref<1x128x64xbf16, #tpu.memory_space<vmem>>
        %dma_wait3A_354 = tpu.memref_squeeze %dma_wait3A_353 : memref<1x128x64xbf16, #tpu.memory_space<vmem>> -> memref<128x64xbf16, #tpu.memory_space<vmem>>
        tpu.wait_dma2 semaphore(%run_scoped3A_330 : memref<!tpu.dma_semaphore, #tpu.memory_space<semaphore_mem>>) src(%dma_wait3A_354 : memref<128x64xbf16, #tpu.memory_space<vmem>>) dst(%dma_wait3A_350 : memref<128x64xbf16, #tpu.memory_space<hbm>>)
        tpu.yield
      }) : () -> ()
      %run_scoped3A_323 = arith.constant 0 : i32
      "tpu.region"() ({
        %run_scoped3A_330 = tpu.sem_alloc : memref<!tpu.dma_semaphore, #tpu.memory_space<semaphore_mem>>
        %dma_start3A_331 = arith.constant 0 : i32
        %dma_start3A_332 = tpu.memref_slice %arg15[%run_scoped3A_323, %dma_start3A_331] : memref<2x128xf32, #tpu.memory_space<vmem>> -> memref<1x128xf32, #tpu.memory_space<vmem>>
        %dma_start3A_333 = tpu.memref_squeeze %dma_start3A_332 : memref<1x128xf32, #tpu.memory_space<vmem>> -> memref<128xf32, #tpu.memory_space<vmem>>
        %dma_start3A_334 = tpu.memref_slice %arg9[%add3A_322] : memref<4096xf32, #tpu.memory_space<hbm>> -> memref<128xf32, #tpu.memory_space<hbm>>
        %dma_start3A_335 = tpu.memref_slice %arg9[%add3A_322] : memref<4096xf32, #tpu.memory_space<hbm>> -> memref<128xf32, #tpu.memory_space<hbm>>
        %dma_start3A_336 = arith.constant 0 : i32
        %dma_start3A_337 = tpu.memref_slice %arg15[%run_scoped3A_323, %dma_start3A_336] : memref<2x128xf32, #tpu.memory_space<vmem>> -> memref<1x128xf32, #tpu.memory_space<vmem>>
        %dma_start3A_338 = tpu.memref_squeeze %dma_start3A_337 : memref<1x128xf32, #tpu.memory_space<vmem>> -> memref<128xf32, #tpu.memory_space<vmem>>
        tpu.enqueue_dma source(%dma_start3A_338 : memref<128xf32, #tpu.memory_space<vmem>>) target(%dma_start3A_335 : memref<128xf32, #tpu.memory_space<hbm>>) target_semaphore(%run_scoped3A_330 : memref<!tpu.dma_semaphore, #tpu.memory_space<semaphore_mem>>)
        %dma_wait3A_339 = arith.constant 0 : i32
        %dma_wait3A_340 = tpu.memref_slice %arg15[%run_scoped3A_323, %dma_wait3A_339] : memref<2x128xf32, #tpu.memory_space<vmem>> -> memref<1x128xf32, #tpu.memory_space<vmem>>
        %dma_wait3A_341 = tpu.memref_squeeze %dma_wait3A_340 : memref<1x128xf32, #tpu.memory_space<vmem>> -> memref<128xf32, #tpu.memory_space<vmem>>
        %dma_wait3A_342 = tpu.memref_slice %arg9[%add3A_322] : memref<4096xf32, #tpu.memory_space<hbm>> -> memref<128xf32, #tpu.memory_space<hbm>>
        %dma_wait3A_343 = tpu.memref_slice %arg9[%add3A_322] : memref<4096xf32, #tpu.memory_space<hbm>> -> memref<128xf32, #tpu.memory_space<hbm>>
        %dma_wait3A_344 = arith.constant 0 : i32
        %dma_wait3A_345 = tpu.memref_slice %arg15[%run_scoped3A_323, %dma_wait3A_344] : memref<2x128xf32, #tpu.memory_space<vmem>> -> memref<1x128xf32, #tpu.memory_space<vmem>>
        %dma_wait3A_346 = tpu.memref_squeeze %dma_wait3A_345 : memref<1x128xf32, #tpu.memory_space<vmem>> -> memref<128xf32, #tpu.memory_space<vmem>>
        tpu.wait_dma2 semaphore(%run_scoped3A_330 : memref<!tpu.dma_semaphore, #tpu.memory_space<semaphore_mem>>) src(%dma_wait3A_346 : memref<128xf32, #tpu.memory_space<vmem>>) dst(%dma_wait3A_343 : memref<128xf32, #tpu.memory_space<hbm>>)
        tpu.yield
      }) : () -> ()
      %mul3A_324 = arith.constant 256 : i32
      %mul3A_325 = arith.muli %arg1, %mul3A_324 : i32
      %add3A_326 = arith.constant 128 : i32
      %add3A_327 = arith.addi %mul3A_325, %add3A_326 : i32
      %run_scoped3A_328 = arith.constant 1 : i32
      "tpu.region"() ({
        %run_scoped3A_330 = tpu.sem_alloc : memref<!tpu.dma_semaphore, #tpu.memory_space<semaphore_mem>>
        %dma_start3A_331 = arith.constant 0 : i32
        %dma_start3A_332 = arith.constant 0 : i32
        %dma_start3A_333 = tpu.memref_slice %arg14[%run_scoped3A_328, %dma_start3A_331, %dma_start3A_332] : memref<2x128x64xbf16, #tpu.memory_space<vmem>> -> memref<1x128x64xbf16, #tpu.memory_space<vmem>>
        %dma_start3A_334 = tpu.memref_squeeze %dma_start3A_333 : memref<1x128x64xbf16, #tpu.memory_space<vmem>> -> memref<128x64xbf16, #tpu.memory_space<vmem>>
        %dma_start3A_335 = arith.constant 0 : i32
        %dma_start3A_336 = tpu.memref_slice %arg8[%add3A_327, %dma_start3A_335] : memref<4096x64xbf16, #tpu.memory_space<hbm>> -> memref<128x64xbf16, #tpu.memory_space<hbm>>
        %dma_start3A_337 = arith.constant 0 : i32
        %dma_start3A_338 = tpu.memref_slice %arg8[%add3A_327, %dma_start3A_337] : memref<4096x64xbf16, #tpu.memory_space<hbm>> -> memref<128x64xbf16, #tpu.memory_space<hbm>>
        %dma_start3A_339 = arith.constant 0 : i32
        %dma_start3A_340 = arith.constant 0 : i32
        %dma_start3A_341 = tpu.memref_slice %arg14[%run_scoped3A_328, %dma_start3A_339, %dma_start3A_340] : memref<2x128x64xbf16, #tpu.memory_space<vmem>> -> memref<1x128x64xbf16, #tpu.memory_space<vmem>>
        %dma_start3A_342 = tpu.memref_squeeze %dma_start3A_341 : memref<1x128x64xbf16, #tpu.memory_space<vmem>> -> memref<128x64xbf16, #tpu.memory_space<vmem>>
        tpu.enqueue_dma source(%dma_start3A_342 : memref<128x64xbf16, #tpu.memory_space<vmem>>) target(%dma_start3A_338 : memref<128x64xbf16, #tpu.memory_space<hbm>>) target_semaphore(%run_scoped3A_330 : memref<!tpu.dma_semaphore, #tpu.memory_space<semaphore_mem>>)
        %dma_wait3A_343 = arith.constant 0 : i32
        %dma_wait3A_344 = arith.constant 0 : i32
        %dma_wait3A_345 = tpu.memref_slice %arg14[%run_scoped3A_328, %dma_wait3A_343, %dma_wait3A_344] : memref<2x128x64xbf16, #tpu.memory_space<vmem>> -> memref<1x128x64xbf16, #tpu.memory_space<vmem>>
        %dma_wait3A_346 = tpu.memref_squeeze %dma_wait3A_345 : memref<1x128x64xbf16, #tpu.memory_space<vmem>> -> memref<128x64xbf16, #tpu.memory_space<vmem>>
        %dma_wait3A_347 = arith.constant 0 : i32
        %dma_wait3A_348 = tpu.memref_slice %arg8[%add3A_327, %dma_wait3A_347] : memref<4096x64xbf16, #tpu.memory_space<hbm>> -> memref<128x64xbf16, #tpu.memory_space<hbm>>
        %dma_wait3A_349 = arith.constant 0 : i32
        %dma_wait3A_350 = tpu.memref_slice %arg8[%add3A_327, %dma_wait3A_349] : memref<4096x64xbf16, #tpu.memory_space<hbm>> -> memref<128x64xbf16, #tpu.memory_space<hbm>>
        %dma_wait3A_351 = arith.constant 0 : i32
        %dma_wait3A_352 = arith.constant 0 : i32
        %dma_wait3A_353 = tpu.memref_slice %arg14[%run_scoped3A_328, %dma_wait3A_351, %dma_wait3A_352] : memref<2x128x64xbf16, #tpu.memory_space<vmem>> -> memref<1x128x64xbf16, #tpu.memory_space<vmem>>
        %dma_wait3A_354 = tpu.memref_squeeze %dma_wait3A_353 : memref<1x128x64xbf16, #tpu.memory_space<vmem>> -> memref<128x64xbf16, #tpu.memory_space<vmem>>
        tpu.wait_dma2 semaphore(%run_scoped3A_330 : memref<!tpu.dma_semaphore, #tpu.memory_space<semaphore_mem>>) src(%dma_wait3A_354 : memref<128x64xbf16, #tpu.memory_space<vmem>>) dst(%dma_wait3A_350 : memref<128x64xbf16, #tpu.memory_space<hbm>>)
        tpu.yield
      }) : () -> ()
      %run_scoped3A_329 = arith.constant 1 : i32
      "tpu.region"() ({
        %run_scoped3A_330 = tpu.sem_alloc : memref<!tpu.dma_semaphore, #tpu.memory_space<semaphore_mem>>
        %dma_start3A_331 = arith.constant 0 : i32
        %dma_start3A_332 = tpu.memref_slice %arg15[%run_scoped3A_329, %dma_start3A_331] : memref<2x128xf32, #tpu.memory_space<vmem>> -> memref<1x128xf32, #tpu.memory_space<vmem>>
        %dma_start3A_333 = tpu.memref_squeeze %dma_start3A_332 : memref<1x128xf32, #tpu.memory_space<vmem>> -> memref<128xf32, #tpu.memory_space<vmem>>
        %dma_start3A_334 = tpu.memref_slice %arg9[%add3A_327] : memref<4096xf32, #tpu.memory_space<hbm>> -> memref<128xf32, #tpu.memory_space<hbm>>
        %dma_start3A_335 = tpu.memref_slice %arg9[%add3A_327] : memref<4096xf32, #tpu.memory_space<hbm>> -> memref<128xf32, #tpu.memory_space<hbm>>
        %dma_start3A_336 = arith.constant 0 : i32
        %dma_start3A_337 = tpu.memref_slice %arg15[%run_scoped3A_329, %dma_start3A_336] : memref<2x128xf32, #tpu.memory_space<vmem>> -> memref<1x128xf32, #tpu.memory_space<vmem>>
        %dma_start3A_338 = tpu.memref_squeeze %dma_start3A_337 : memref<1x128xf32, #tpu.memory_space<vmem>> -> memref<128xf32, #tpu.memory_space<vmem>>
        tpu.enqueue_dma source(%dma_start3A_338 : memref<128xf32, #tpu.memory_space<vmem>>) target(%dma_start3A_335 : memref<128xf32, #tpu.memory_space<hbm>>) target_semaphore(%run_scoped3A_330 : memref<!tpu.dma_semaphore, #tpu.memory_space<semaphore_mem>>)
        %dma_wait3A_339 = arith.constant 0 : i32
        %dma_wait3A_340 = tpu.memref_slice %arg15[%run_scoped3A_329, %dma_wait3A_339] : memref<2x128xf32, #tpu.memory_space<vmem>> -> memref<1x128xf32, #tpu.memory_space<vmem>>
        %dma_wait3A_341 = tpu.memref_squeeze %dma_wait3A_340 : memref<1x128xf32, #tpu.memory_space<vmem>> -> memref<128xf32, #tpu.memory_space<vmem>>
        %dma_wait3A_342 = tpu.memref_slice %arg9[%add3A_327] : memref<4096xf32, #tpu.memory_space<hbm>> -> memref<128xf32, #tpu.memory_space<hbm>>
        %dma_wait3A_343 = tpu.memref_slice %arg9[%add3A_327] : memref<4096xf32, #tpu.memory_space<hbm>> -> memref<128xf32, #tpu.memory_space<hbm>>
        %dma_wait3A_344 = arith.constant 0 : i32
        %dma_wait3A_345 = tpu.memref_slice %arg15[%run_scoped3A_329, %dma_wait3A_344] : memref<2x128xf32, #tpu.memory_space<vmem>> -> memref<1x128xf32, #tpu.memory_space<vmem>>
        %dma_wait3A_346 = tpu.memref_squeeze %dma_wait3A_345 : memref<1x128xf32, #tpu.memory_space<vmem>> -> memref<128xf32, #tpu.memory_space<vmem>>
        tpu.wait_dma2 semaphore(%run_scoped3A_330 : memref<!tpu.dma_semaphore, #tpu.memory_space<semaphore_mem>>) src(%dma_wait3A_346 : memref<128xf32, #tpu.memory_space<vmem>>) dst(%dma_wait3A_343 : memref<128xf32, #tpu.memory_space<hbm>>)
        tpu.yield
      }) : () -> ()
    } else {
    }
    return
  }
}

module attributes {stable_mosaic.version = 14 : i64} {
  func.func @_mm_body(%arg0: i32, %arg1: memref<2000x128xf32, #tpu.memory_space<vmem>>, %arg2: memref<128x64xf32, #tpu.memory_space<vmem>>, %arg3: memref<2000x1xf32, #tpu.memory_space<vmem>>, %arg4: memref<2000x1xf32, #tpu.memory_space<vmem>>, %arg5: memref<2000x64xbf16, #tpu.memory_space<vmem>>) attributes {dimension_semantics = [#tpu.dimension_semantics<arbitrary>], iteration_bounds = array<i64: 5>, scalar_prefetch = 0 : i64, scratch_operands = 0 : i64, tpu.core_type = #tpu.core_type<tc>, window_params = [{transform_indices = @transform_0, window_bounds = array<i64: 2000, 128>}, {pipeline_mode = #tpu.pipeline_mode<synchronous>, transform_indices = @transform_1, window_bounds = array<i64: 128, 64>}, {transform_indices = @transform_2, window_bounds = array<i64: 2000, 1>}, {transform_indices = @transform_3, window_bounds = array<i64: 2000, 1>}, {transform_indices = @transform_4, window_bounds = array<i64: 2000, 64>}]} {
    %get3A = arith.constant 0 : index
    %get3A_0 = arith.constant 0 : index
    %get3A_1 = vector.load %arg3[%get3A, %get3A_0] : memref<2000x1xf32, #tpu.memory_space<vmem>>, vector<2000x1xf32>
    %add3A = arith.constant 1.000000e+00 : f32
    %add3A_2 = vector.broadcast %add3A : f32 to vector<2000x1xf32>
    %add3A_3 = arith.addf %add3A_2, %get3A_1 : vector<2000x1xf32>
    %get3A_4 = arith.constant 0 : index
    %get3A_5 = arith.constant 0 : index
    %get3A_6 = vector.load %arg4[%get3A_4, %get3A_5] : memref<2000x1xf32, #tpu.memory_space<vmem>>, vector<2000x1xf32>
    %add3A_7 = arith.addf %add3A_3, %get3A_6 : vector<2000x1xf32>
    %rsqrt3A = math.rsqrt %add3A_7 : vector<2000x1xf32>
    %get3A_8 = arith.constant 0 : index
    %get3A_9 = arith.constant 0 : index
    %get3A_10 = vector.load %arg1[%get3A_8, %get3A_9] : memref<2000x128xf32, #tpu.memory_space<vmem>>, vector<2000x128xf32>
    %get3A_11 = arith.constant 0 : index
    %get3A_12 = arith.constant 0 : index
    %get3A_13 = vector.load %arg2[%get3A_11, %get3A_12] : memref<128x64xf32, #tpu.memory_space<vmem>>, vector<128x64xf32>
    %dot_general3A = arith.constant dense<0.000000e+00> : vector<2000x64xf32>
    %dot_general3A_14 = tpu.matmul %get3A_10, %get3A_13, %dot_general3A {dimension_numbers = #tpu.dot_dimension_numbers<[1], [0], [0], [1], [0, 0, 1, 1], [], []>, transpose_lhs_hint = false} : vector<2000x128xf32>, vector<128x64xf32>, vector<2000x64xf32> -> vector<2000x64xf32>
    %mul3A = vector.broadcast %rsqrt3A : vector<2000x1xf32> to vector<2000x64xf32>
    %mul3A_15 = arith.mulf %mul3A, %dot_general3A_14 : vector<2000x64xf32>
    %convert_element_type3A = arith.truncf %mul3A_15 : vector<2000x64xf32> to vector<2000x64xbf16>
    %swap3A = arith.constant 0 : index
    %swap3A_16 = arith.constant 0 : index
    %swap3A_17 = vector.load %arg5[%swap3A, %swap3A_16] : memref<2000x64xbf16, #tpu.memory_space<vmem>>, vector<2000x64xbf16>
    tpu.vector_store %arg5[%swap3A, %swap3A_16], %convert_element_type3A {strides = array<i32>} : memref<2000x64xbf16, #tpu.memory_space<vmem>>, vector<2000x64xbf16>,
    return
  }
  func.func @transform_0(%arg0: i32) -> (i32, i32) {
    %c0_i32 = arith.constant 0 : i32
    %c0_i32_0 = arith.constant 0 : i32
    return %arg0, %c0_i32 : i32, i32
  }
  func.func @transform_1(%arg0: i32) -> (i32, i32) {
    %c0_i32 = arith.constant 0 : i32
    %c0_i32_0 = arith.constant 0 : i32
    %c0_i32_1 = arith.constant 0 : i32
    return %c0_i32, %c0_i32_0 : i32, i32
  }
  func.func @transform_2(%arg0: i32) -> (i32, i32) {
    %c0_i32 = arith.constant 0 : i32
    %c0_i32_0 = arith.constant 0 : i32
    return %arg0, %c0_i32 : i32, i32
  }
  func.func @transform_3(%arg0: i32) -> (i32, i32) {
    %c0_i32 = arith.constant 0 : i32
    %c0_i32_0 = arith.constant 0 : i32
    return %arg0, %c0_i32 : i32, i32
  }
  func.func @transform_4(%arg0: i32) -> (i32, i32) {
    %c0_i32 = arith.constant 0 : i32
    %c0_i32_0 = arith.constant 0 : i32
    return %arg0, %c0_i32 : i32, i32
  }
}

module attributes {stable_mosaic.version = 14 : i64} {
  func.func @_fin_body(%arg0: memref<4096x64xbf16, #tpu.memory_space<vmem>>, %arg1: memref<4096x64xbf16, #tpu.memory_space<vmem>>, %arg2: memref<4096x1xf32, #tpu.memory_space<vmem>>, %arg3: memref<1x64xf32, #tpu.memory_space<vmem>>, %arg4: memref<4096x64xf32, #tpu.memory_space<vmem>>) attributes {dimension_semantics = [], scalar_prefetch = 0 : i64, scratch_operands = 0 : i64, tpu.core_type = #tpu.core_type<tc>} {
    %get3A = arith.constant 0 : index
    %get3A_0 = arith.constant 0 : index
    %get3A_1 = vector.load %arg2[%get3A, %get3A_0] : memref<4096x1xf32, #tpu.memory_space<vmem>>, vector<4096x1xf32>
    %add3A = arith.constant 1.000000e+00 : f32
    %add3A_2 = vector.broadcast %add3A : f32 to vector<4096x1xf32>
    %add3A_3 = arith.addf %add3A_2, %get3A_1 : vector<4096x1xf32>
    %rsqrt3A = math.rsqrt %add3A_3 : vector<4096x1xf32>
    %get3A_4 = arith.constant 0 : index
    %get3A_5 = arith.constant 0 : index
    %get3A_6 = vector.load %arg0[%get3A_4, %get3A_5] : memref<4096x64xbf16, #tpu.memory_space<vmem>>, vector<4096x64xbf16>
    %convert_element_type3A = arith.extf %get3A_6 : vector<4096x64xbf16> to vector<4096x64xf32>
    %get3A_7 = arith.constant 0 : index
    %get3A_8 = arith.constant 0 : index
    %get3A_9 = vector.load %arg1[%get3A_7, %get3A_8] : memref<4096x64xbf16, #tpu.memory_space<vmem>>, vector<4096x64xbf16>
    %convert_element_type3A_10 = arith.extf %get3A_9 : vector<4096x64xbf16> to vector<4096x64xf32>
    %add3A_11 = arith.addf %convert_element_type3A, %convert_element_type3A_10 : vector<4096x64xf32>
    %mul3A = vector.broadcast %rsqrt3A : vector<4096x1xf32> to vector<4096x64xf32>
    %mul3A_12 = arith.mulf %mul3A, %add3A_11 : vector<4096x64xf32>
    %get3A_13 = arith.constant 0 : index
    %get3A_14 = arith.constant 0 : index
    %get3A_15 = vector.load %arg3[%get3A_13, %get3A_14] : memref<1x64xf32, #tpu.memory_space<vmem>>, vector<1x64xf32>
    %add3A_16 = vector.broadcast %get3A_15 : vector<1x64xf32> to vector<4096x64xf32>
    %add3A_17 = arith.addf %mul3A_12, %add3A_16 : vector<4096x64xf32>
    %swap3A = arith.constant 0 : index
    %swap3A_18 = arith.constant 0 : index
    %swap3A_19 = vector.load %arg4[%swap3A, %swap3A_18] : memref<4096x64xf32, #tpu.memory_space<vmem>>, vector<4096x64xf32>
    tpu.vector_store %arg4[%swap3A, %swap3A_18], %add3A_17 {strides = array<i32>} : memref<4096x64xf32, #tpu.memory_space<vmem>>, vector<4096x64xf32>,
    return
  }
}

</mosaic_0001>

<sc_bundles>
// kernel: kernel.6.cloned.1.call-start
scs
__scs_entry_jumppad:
0x0: {  	(pc) =	sbr.rel $0x88, $3  }
0x1: {  	(tag) =	ssettag $0x0;
	lr =	simm.s32 $0x1  }
0x2: {  	[smem:$0x3F9C] =	sst lr;
	_ =	strace $0xD0000000  }
0x3: {  	_ = 	snop  }
0x4: {  	_ = 	snop  }
0x5: {  	_ = 	snop  }
0x6: {  	_ = 	snop  }
0x7: {  	_ = 	snop  }
__scs_overlays_trampoline_lowered:
0x8: {  	[smem:$0x3FAB] =	sst s0  }
0x9: {  	[smem:$0x3FAC] =	sst s1  }
0xa: {  	[smem:$0x3FAD] =	sst s2  }
0xb: {  	[smem:$0x3FAE] =	sst s3  }
0xc: {  	[smem:$0x3FAF] =	sst s4  }
0xd: {  	[smem:$0x3FB0] =	sst s5  }
0xe: {  	[smem:$0x3FB1] =	sst s6  }
0xf: {  	[smem:$0x3FB2] =	sst s7  }
0x10: {  	[smem:$0x3FB3] =	sst s8  }
0x11: {  	[smem:$0x3FB4] =	sst s9;
	s0 =	simm.s32 @!p0 $0x0  }
0x12: {  	s1 =	sld [smem:$0x3F9A];
	s0 =	simm.s32 @p0 $0x1  }
0x13: {  	[smem:$0x3FB5] =	sst s0;
	s0 =	simm.s32 @!p1 $0x0  }
0x14: {  	s2 =	sld [smem:$0x3F99];
	s0 =	simm.s32 @p1 $0x1  }
0x15: {  	[smem:$0x3FB6] =	sst s0;
	s0 =	simm.s32 @!p2 $0x0  }
0x16: {  	s3 =	sld [smem:$0x3FDB];
	s0 =	simm.s32 @p2 $0x1  }
0x17: {  	s4 =	simm.s32 $0x1BF5;
	[smem:$0x3FB8] =	sst s0  }
0x18: {  	s0 =	sld [smem:$0x3F9B];
	_ =	swait.ge [sflag:s4], $0x0  }
0x19: {  	s7 =	sld [smem:$0x3F9C]  }
0x1a: {  	s8 =	sadd.s32 $0xFFFFE003, lr  }
0x1b: {  	s9 =	sadd.s32 $0xFFFFFEF7, lr;
	s5 =	simm.s32 $0xFFFFFFFF;
	p2 =	slt.u32 s8, $0xFFFFF086  }
0x1c: {  	p1 =	slt.u32 s9, $0xF7A;
	s5 =	simm.s32 @!p2 $0x0  }
0x1d: {  	s5 =	simm.s32 @p1 $0x1;
	p0 =	seq.s32 s7, s2  }
0x1e: {  	s7 =	smul.u32 @!p0 $0xF7A, s2;
	p2 =	seq.s32 @!p0 s5, $0x0  }
0x1f: {  	s9 =	smul.u32 $0xF7A, s1;
	s8 =	simm.s32 @!p0 $0x1BF5;
	p2 =	por !p2, p0  }
0x20: {  	[sflag:s8] =	ssyncset.s32 @!p0 $0xFFFFF086;
	s6 =	sadd.s32 @!p0 s3, s7;
	s7 =	simm.s32 @!p0 $0x108  }
0x21: {  	s3 =	sadd.s32 s3, s9;
	s6 =	sadd.s32 @!p0 $0x88, s6;
	s7 =	simm.s32 @p2 $0x1082  }
0x22: {  	[simem:s7], [sflag:s8] =	dma.local @!p0 [hbm:s6], $0xF7A  }
0x23: {  	s9 =	sor.u32 $0xD0000000, s2;
	s6 =	simm.s32 $0x108;
	_ =	swait.ge @!p0 [sflag:s8], $0x0  }
0x24: {  	s3 =	sadd.s32 $0x88, s3;
	s6 =	simm.s32 @!p1 $0x1082;
	[sflag:s4] =	ssyncset.s32 $0xFFFFF086  }
0x25: {  	[simem:s6], [sflag:s4] =	dma.local [hbm:s3], $0xF7A  }
0x26: {  	[smem:$0x3F9C] =	sst s1;
	(tag) =	ssettag s2;
	_ =	strace s9  }
0x27: {  	s1 =	sld [smem:$0x3FAC]  }
0x28: {  	s2 =	sld [smem:$0x3FAD]  }
0x29: {  	s4 =	sld [smem:$0x3FAF]  }
0x2a: {  	p0 =	seq.s32 s5, $0x0;
	s5 =	sld [smem:$0x3FB0]  }
0x2b: {  	s6 =	sld [smem:$0x3FB1]  }
0x2c: {  	s7 =	sld [smem:$0x3FB2]  }
0x2d: {  	s3 =	simm.s32 $0x108;
	s8 =	sld [smem:$0x3FB3]  }
0x2e: {  	s3 =	simm.s32 @!p0 $0x1082;
	s9 =	sld [smem:$0x3FB4]  }
0x2f: {  	lr =	sadd.s32 s0, s3;
	s0 =	sld [smem:$0x3FAB]  }
0x30: {  	s3 =	sld [smem:$0x3FAE]  }
0x31: {  	[smem:$0x3FB7] =	sst s10  }
0x32: {  	s10 =	sld [smem:$0x3FB5];
	_ =	sdelay $0x3  }
0x33: {  	p0 =	seq.s32 s10, $0x1;
	s10 =	sld [smem:$0x3FB7];
	_ =	sdelay $0x3  }
0x34: {  	[smem:$0x3FB7] =	sst s10  }
0x35: {  	s10 =	sld [smem:$0x3FB6];
	_ =	sdelay $0x3  }
0x36: {  	p1 =	seq.s32 s10, $0x1;
	s10 =	sld [smem:$0x3FB7];
	_ =	sdelay $0x3  }
0x37: {  	[smem:$0x3FB7] =	sst s10  }
0x38: {  	s10 =	sld [smem:$0x3FB8]  }
0x39: {  	_ = 	snop;
	(pc) =	sbr.ind lr, $3  }
0x3a: {  	_ = 	snop  }
0x3b: {  	_ = 	snop  }
0x3c: {  	p2 =	seq.s32 s10, $0x1;
	s10 =	sld [smem:$0x3FB7]  }
0x3d: {  	_ =	shalt  }
0x3e: {  	_ =	shalt  }
0x3f: {  	_ =	shalt  }
0x40: {  	_ =	shalt  }
0x41: {  	_ =	shalt  }
0x42: {  	_ =	shalt  }
0x43: {  	_ =	shalt  }
0x44: {  	_ =	shalt  }
0x45: {  	_ =	shalt  }
0x46: {  	_ =	shalt  }
0x47: {  	_ =	shalt  }
0x48: {  	_ =	shalt  }
0x49: {  	_ =	shalt  }
0x4a: {  	_ =	shalt  }
0x4b: {  	_ =	shalt  }
0x4c: {  	_ =	shalt  }
0x4d: {  	_ =	shalt  }
0x4e: {  	_ =	shalt  }
0x4f: {  	_ =	shalt  }
0x50: {  	_ =	shalt  }
0x51: {  	_ =	shalt  }
0x52: {  	_ =	shalt  }
0x53: {  	_ =	shalt  }
0x54: {  	_ =	shalt  }
0x55: {  	_ =	shalt  }
0x56: {  	_ =	shalt  }
0x57: {  	_ =	shalt  }
0x58: {  	_ =	shalt  }
0x59: {  	_ =	shalt  }
0x5a: {  	_ =	shalt  }
0x5b: {  	_ =	shalt  }
0x5c: {  	_ =	shalt  }
0x5d: {  	_ =	shalt  }
0x5e: {  	_ =	shalt  }
0x5f: {  	_ =	shalt  }
0x60: {  	_ =	shalt  }
0x61: {  	_ =	shalt  }
0x62: {  	_ =	shalt  }
0x63: {  	_ =	shalt  }
0x64: {  	_ =	shalt  }
0x65: {  	_ =	shalt  }
0x66: {  	_ =	shalt  }
0x67: {  	_ =	shalt  }
0x68: {  	_ =	shalt  }
0x69: {  	_ =	shalt  }
0x6a: {  	_ =	shalt  }
0x6b: {  	_ =	shalt  }
0x6c: {  	_ =	shalt  }
0x6d: {  	_ =	shalt  }
0x6e: {  	_ =	shalt  }
0x6f: {  	_ =	shalt  }
0x70: {  	_ =	shalt  }
0x71: {  	_ =	shalt  }
0x72: {  	_ =	shalt  }
0x73: {  	_ =	shalt  }
0x74: {  	_ =	shalt  }
0x75: {  	_ =	shalt  }
0x76: {  	_ =	shalt  }
0x77: {  	_ =	shalt  }
0x78: {  	_ =	shalt  }
0x79: {  	_ =	shalt  }
0x7a: {  	_ =	shalt  }
0x7b: {  	_ =	shalt  }
0x7c: {  	_ =	shalt  }
0x7d: {  	_ =	shalt  }
0x7e: {  	_ =	shalt  }
0x7f: {  	_ =	shalt  }
0x80: {  	_ =	shalt  }
0x81: {  	_ =	shalt  }
0x82: {  	_ =	shalt  }
0x83: {  	_ =	shalt  }
0x84: {  	_ =	shalt  }
0x85: {  	_ =	shalt  }
0x86: {  	_ =	shalt  }
0x87: {  	_ =	shalt  }
.Lfunc_end0:
.L_simem_size_0:
called_computation_lowered:
.L_overlay_start_0:
0x88: {  	s2 =	sld [smem:$0x3FD9]  }
0x89: {  	s3 =	sld [smem:$0x3FFE];
	_ =	sdelay $0x1  }
0x8a: {  	s1 =	srdreg.scid  }
0x8b: {  	s0 =	sand.u32 $0x1, s1  }
0x8c: {  	s16 =	sshll.u32 s0, $0xA;
	s2 =	sadd.s32 s3, s2  }
0x8d: {  	s2 =	sadd.s32 s2, s16  }
0x8e: {  	[smem:$0x3FC3] =	sst s2  }
0x8f: {  	_ = 	snop  }
0x90: {  	(tm) =	ssettm $0x1  }
0x91: {  	s17 =	sld [smem:$0x3FFB];
	_ =	sdelay $0x3  }
0x92: {  	_ =	strace s17  }
0x93: {  	s2 =	sld [smem:$0x3FFC];
	_ =	sdelay $0x3  }
0x94: {  	_ =	strace s2  }
0x95: {  	s2 =	sld [smem:$0x3FFD];
	_ =	sdelay $0x3  }
0x96: {  	_ =	strace s2  }
0x97: {  	_ =	strace $0x8FFFFFFF  }
0x98: {  	s18 =	sld [smem:$0x3FDB];
	_ =	sdelay $0x1  }
0x99: {  	s19 =	simm.s32 $_scs_section_size  }
0x9a: {  	s4 =	simm.s32 $_size__tile_overlayer_lowered;
	s5 =	simm.s32 $_tile_overlayer_lowered  }
0x9b: {  	s22 =	simm.s32 $0x1BFF;
	s21 =	sshll.u32 s5, $0x1;
	s2 =	sadd.s32 s19, s18  }
0x9c: {  	s6 =	simm.s32 $0x0;
	s20 =	sshll.u32 s4, $0x1;
	s4 =	sadd.s32 s21, s2  }
0x9d: {  	[timem:s6], [sflag:s22] =	dma.local [hbm:s4], s20  }
0x9e: {  	_ =	swait.ge [sflag:s22], s20  }
0x9f: {  	s3 =	ssub.s32 $0x0, s20;
	[sflag:s22] =	ssyncset.done $0x0  }
0xa0: {  	[sflag:s22] =	ssyncadd.s32 s3;
	_ =	sdelay $0x1  }
0xa1: {  	s23 =	simm.s32 $0x1B8B  }
0xa2: {  	_ =	swait.ge [sflag:s23], $0x1  }
0xa3: {  	[sflag:s23] =	ssyncset.done $0x0  }
0xa4: {  	s25 =	simm.s32 $0x1B8E;
	s24 =	sld [smem:$0x3FFE];
	[sflag:s23] =	ssyncadd.s32 $0xFFFFFFFF  }
0xa5: {  	s26 =	simm.s32 $execute0_lowered;
	[smem:$0x3FD2] =	sst s25  }
0xa6: {  	s4 =	sshll.u32 s26, $0x1;
	_ =	strace $0x80000046;
	[dreg:$0x1] =	wrdreg $0xFFFFFFFF  }
0xa7: {  	s28 =	simm.s32 $_size_execute0_lowered;
	s2 =	sadd.s32 s2, s4;
	[dreg:$0x0] =	wrdreg $0x0  }
0xa8: {  	s4 =	sshll.u32 s28, $0x1;
	[dreg:$0x2] =	wrdreg s2  }
0xa9: {  	[dreg:$0x3] =	wrdreg s4  }
0xaa: {  	[dreg:$0x4] =	wrdreg $0xC0  }
0xab: {  	_ =	task [dreg:s6], $0x5FFFF  }
0xac: {  	[dreg:$0x1] =	wrdreg $0xFFFFFFFF  }
0xad: {  	[dreg:$0x0] =	wrdreg $0x60  }
0xae: {  	[dreg:$0x2] =	wrdreg s24  }
0xaf: {  	[dreg:$0x3] =	wrdreg $0x29000  }
0xb0: {  	[dreg:$0x4] =	wrdreg $0x9  }
0xb1: {  	_ =	task.clear_ibuf [dreg:s6], $0x5FFFF;
	_ =	strace $0x90000046  }
0xb2: {  	s29 =	simm.s32 $0x9;
	_ =	strace $0x80000048  }
0xb3: {  	_ =	swait.ge [sflag:s29], $0x1  }
0xb4: {  	[sflag:s29] =	ssyncadd.s32 $0xFFFFFFFF  }
0xb5: {  	_ =	strace $0x90000048  }
0xb6: {  	_ =	sfence  }
0xb7: {  	s30 =	sld [smem:$0x0];
	_ =	sdelay $0x2  }
0xb8: {  	s31 =	sshll.u32 s1, $0xD;
	s1 =	sshrl.u32 s1, $0x2  }
0xb9: {  	s3 =	sand.u32 $0x4000, s31;
	s1 =	sadd.s32 s1, s30  }
0xba: {  	s0 =	sor.u32 s3, s0;
	s1 =	sshll.u32 s1, $0x11  }
0xbb: {  	s0 =	sor.u32 s1, s0  }
0xbc: {  	s0 =	sadd.s32 $0x8F2B, s0  }
0xbd: {  	[sflag:s0] =	ssyncadd.remote.s32 $0x1  }
0xbe: {  	_ =	sfence.sel $0xFFFF  }
0xbf: {  	[dreg:$0x0] =	wrdreg $0xFFFFFFFF;
	(pc) =	sbr.abs _section_cstart, $3  }
0xc0: {  	[dreg:$0x1] =	wrdreg $0xFFFFFFFF  }
0xc1: {  	_ =	task.clear_ibuf [dreg:s6], $0x2FFFF;
	_ =	strace $0x9FFFFFFF  }
0xc2: {  	(tm) =	ssettm $0x7FFFFFFF  }
0xc3: {  	_ =	shalt  }
tec
execute0_lowered:
.L_overlay_start_1:
0x0: {  	(tag) =	ssettag $0x1  }
0x1: {  	s0 =	srdreg.scid;
	s11 =	rddreg [dreg:$0x0]  }
0x2: {  	s2 =	rddreg [dreg:$0x1];
	s1 =	stileid.u32;
	s3 =	simm.s32 $0x0  }
0x3: {  	s13 =	simm.s32 $0x16800;
	s14 =	simm.s32 $0x1;
	s15 =	simm.s32 $0x80  }
0x4: {  	s16 =	simm.s32 $0x2800;
	s17 =	simm.s32 $0x100;
	s18 =	simm.s32 $0x180  }
0x5: {  	s6 =	sand.u32 $0x1, s0;
	s0 =	rddreg [dreg:$0x2];
	s7 =	smul.u32 $0xA00, s1  }
0x6: {  	s21 =	simm.s32 $0x0;
	[smem:$0x7FF] =	sst s3;
	s9 =	smul.u32 $0x280, s1  }
0x7: {  	s19 =	sshll.u32 s1, $0x6;
	s4 =	sshll.u32 s6, $0x4;
	_ =	strace $0x80000047  }
0x8: {  	s5 =	ssub.s32 $0x2, s6;
	p0 =	seq.s32 s6, $0x1;
	s19 =	sor.u32 $0x1C02, s19  }
0x9: {  	s4 =	sor.u32 s1, s4;
	s8 =	sshrl.u32 s5, $0x1;
	s31 =	sshrl.u32 s7, $0x2  }
0xa: {  	s12 =	sshrl.u32 s9, $0x3;
	s20 =	sadd.s32 s9, s2;
	s13 =	simm.s32 @!p0 $0x16200  }
0xb: {  	s4 =	smul.u32 $0x500, s4;
	s8 =	ssub.s32 s5, s8;
	s5 =	sadd.s32 s31, s2  }
0xc: {  	s20 =	sshrl.u32 s20, $0x3;
	s6 =	smax.u32 s8, $0x1;
	s7 =	sadd.s32 $0x80, s5  }
0xd: {  	s8 =	sadd.s32 $0x100, s5;
	s9 =	sadd.s32 $0x180, s5;
	s10 =	sadd.s32 $0x200, s5  }
0xe: {  	s4 =	sadd.s32 s4, s11;
	s11 =	sadd.s32 s13, s11;
	s13 =	simm.s32 $0x2  }
0xf: {  	v0 =	vimm.f32 $1.000000000e+00;
	v1 =	vimm.f32 $0.0e+00;
	s4 =	sadd.s32 $0xC200, s4;
	s11 =	sadd.s32 s11, s12;
	s12 =	simm.s32 $0x2880  }
.LBB2_1:
0x10: {  	[tilespmem:$0x2800] =	vst v0  }
0x11: {  	[tilespmem:$0x2810] =	vst v0  }
0x12: {  	[tilespmem:$0x2820] =	vst v0  }
0x13: {  	[tilespmem:$0x2830] =	vst v0  }
0x14: {  	[tilespmem:$0x2840] =	vst v0  }
0x15: {  	[tilespmem:$0x2850] =	vst v0  }
0x16: {  	[tilespmem:$0x2860] =	vst v0  }
0x17: {  	[tilespmem:$0x2870] =	vst v0  }
0x18: {  	[tilespmem:$0x2880] =	vst v1  }
0x19: {  	[tilespmem:$0x2890] =	vst v1  }
0x1a: {  	[tilespmem:$0x28A0] =	vst v1  }
0x1b: {  	[tilespmem:$0x28B0] =	vst v1  }
0x1c: {  	[tilespmem:$0x28C0] =	vst v1  }
0x1d: {  	[tilespmem:$0x28D0] =	vst v1  }
0x1e: {  	[tilespmem:$0x28E0] =	vst v1  }
0x1f: {  	[tilespmem:$0x28F0] =	vst v1  }
0x20: {  	[tilespmem:s3], [sflag:$0x1] =	stream.linear.gather [hbm4b:s4+s3], $0x2800, $0x38;
	[tilespmem:$0x2B80] =	vst v63  }
0x21: {  	_ = 	snop  }
0x22: {  	[spmem:s5] =	stream.linear.scatter [tilespmem:s12], [sflag:$0x2], $0x80, $0x38;
	[tilespmem:$0x2B80] =	vst v63  }
0x23: {  	_ =	swait.ge [sflag:s13], $0x80  }
0x24: {  	[sflag:s13] =	ssyncset.done $0x0  }
0x25: {  	[sflag:s13] =	ssyncadd.s32 $0xFFFFFF80  }
0x26: {  	[spmem:s7] =	stream.linear.scatter [tilespmem:s12], [sflag:$0x2], $0x80, $0x38;
	[tilespmem:$0x2B80] =	vst v63  }
0x27: {  	_ =	swait.ge [sflag:s13], $0x80  }
0x28: {  	[sflag:s13] =	ssyncset.done $0x0  }
0x29: {  	[sflag:s13] =	ssyncadd.s32 $0xFFFFFF80  }
0x2a: {  	[spmem:s8] =	stream.linear.scatter [tilespmem:s12], [sflag:$0x2], $0x80, $0x38;
	[tilespmem:$0x2B80] =	vst v63  }
0x2b: {  	_ =	swait.ge [sflag:s13], $0x80  }
0x2c: {  	[sflag:s13] =	ssyncset.done $0x0  }
0x2d: {  	[sflag:s13] =	ssyncadd.s32 $0xFFFFFF80  }
0x2e: {  	[spmem:s9] =	stream.linear.scatter [tilespmem:s12], [sflag:$0x2], $0x80, $0x38;
	[tilespmem:$0x2B80] =	vst v63  }
0x2f: {  	_ =	swait.ge [sflag:s13], $0x80  }
0x30: {  	[sflag:s13] =	ssyncset.done $0x0  }
0x31: {  	[sflag:s13] =	ssyncadd.s32 $0xFFFFFF80  }
0x32: {  	[spmem:s10] =	stream.linear.scatter [tilespmem:s12], [sflag:$0x2], $0x80, $0x38;
	[tilespmem:$0x2B80] =	vst v63  }
0x33: {  	_ =	swait.ge [sflag:s13], $0x80  }
0x34: {  	[sflag:s13] =	ssyncset.done $0x0  }
0x35: {  	[sflag:s13] =	ssyncadd.s32 $0xFFFFFF80  }
0x36: {  	_ =	swait.ge [sflag:s14], $0x2800  }
0x37: {  	[sflag:s14] =	ssyncset.done $0x0  }
0x38: {  	[sflag:s14] =	ssyncadd.s32 $0xFFFFD800  }
0x39: {  	[bflag:$0x0] =	sbarrier.arrive $0xFFFF  }
0x3a: {  	[spmem:s2] =	stream.indirect.scatter.add.f32 [tilespmem:s16], [sflag:$0x1], $0x1, s3, s15, $0xb8;
	[tilespmem:$0x2B80] =	vst v63  }
0x3b: {  	_ = 	snop  }
0x3c: {  	[spmem:s2] =	stream.indirect.scatter.add.f32 [tilespmem:s16], [sflag:$0x1], $0x1, s15, s15, $0xb8;
	[tilespmem:$0x2B80] =	vst v63  }
0x3d: {  	_ = 	snop  }
0x3e: {  	[spmem:s2] =	stream.indirect.scatter.add.f32 [tilespmem:s16], [sflag:$0x1], $0x1, s17, s15, $0xb8;
	[tilespmem:$0x2B80] =	vst v63  }
0x3f: {  	_ = 	snop  }
0x40: {  	[spmem:s2] =	stream.indirect.scatter.add.f32 [tilespmem:s16], [sflag:$0x1], $0x1, s18, s15, $0xb8;
	[tilespmem:$0x2B80] =	vst v63  }
0x41: {  	s22 =	simm.s32 $0x200  }
0x42: {  	[spmem:s2] =	stream.indirect.scatter.add.f32 [tilespmem:s16], [sflag:$0x1], $0x1, s22, s15, $0xb8;
	[tilespmem:$0x2B80] =	vst v63  }
0x43: {  	_ =	swait.ge [sflag:s14], $0x80  }
0x44: {  	s22 =	simm.s32 $0xA00;
	[sflag:s14] =	ssyncset.done $0x0  }
.LBB2_2:
0x45: {  	s23 =	sshra.s32 s22, $0x2;
	[sflag:s14] =	ssyncadd.s32 $0xFFFFFF80;
	p0 =	sne.s32 s22, $0x9E00  }
0x46: {  	[spmem:s2] =	stream.indirect.scatter.add.f32 [tilespmem:s16], [sflag:$0x1], $0x1, s23, s15, $0xb8;
	[tilespmem:$0x2B80] =	vst v63  }
.Ltmp0:
0x47: {  	_ = 	snop;
	(pc) =	sbr.rel @p0 .LBB2_2-.Ltmp0, $4  }
0x48: {  	_ = 	snop  }
0x49: {  	s22 =	sadd.s32 $0x200, s22  }
0x4a: {  	_ =	swait.ge [sflag:s14], $0x80  }
0x4b: {  	[sflag:s14] =	ssyncset.done $0x0  }
0x4c: {  	[sflag:s14] =	ssyncadd.s32 $0xFFFFFF80  }
0x4d: {  	_ =	swait.ge [sflag:s14], $0x80  }
0x4e: {  	[sflag:s14] =	ssyncset.done $0x0  }
0x4f: {  	[sflag:s14] =	ssyncadd.s32 $0xFFFFFF80  }
0x50: {  	_ =	swait.ge [sflag:s14], $0x80  }
0x51: {  	[sflag:s14] =	ssyncset.done $0x0  }
0x52: {  	[sflag:s14] =	ssyncadd.s32 $0xFFFFFF80  }
0x53: {  	_ =	swait.ge [sflag:s14], $0x80  }
0x54: {  	[sflag:s14] =	ssyncset.done $0x0  }
0x55: {  	[sflag:s14] =	ssyncadd.s32 $0xFFFFFF80  }
0x56: {  	_ =	swait.ge [sflag:s14], $0x80  }
0x57: {  	s21 =	sadd.s32 $0x1, s21;
	[sflag:s14] =	ssyncset.done $0x0  }
0x58: {  	p0 =	sne.s32 s21, s6;
	[sflag:s14] =	ssyncadd.s32 $0xFFFFFF80  }
.Ltmp1:
0x59: {  	[bflag:$0x0] =	sbarrier.arrive $0xFFFF;
	(pc) =	sbr.rel @p0 .LBB2_1-.Ltmp1, $4  }
0x5a: {  	[hbm:s11], [sflag:s19] =	dma.local [spmem:s20], $0x50  }
0x5b: {  	_ =	swait.ge [sflag:s13], $0x50  }
0x5c: {  	[sflag:s13] =	ssyncset.done $0x0  }
0x5d: {  	[sflag:s13] =	ssyncadd.s32 $0xFFFFFFB0  }
0x5e: {  	_ =	sfence.sel $0x180000  }
0x5f: {  	[bflag:$0x0] =	sbarrier.arrive $0xFFFF  }
0x60: {  	p0 =	sne.s32 s1, $0x0;
	_ =	strace $0x90000047  }
0x61: {  	s0 =	sadd.s32 @!p0 $0x100000, s0;
	[bflag:$0x2] =	sbarrier.arrive $0xFFFF  }
0x62: {  	[sflag:s0] =	ssyncadd.tile.s32 @!p0 $0x1;
	_ =	shalt  }
.Lfunc_end2:
_tile_overlayer_lowered:
.L_overlay_start_2:
0x63: {  	(tag) =	ssettag $0x2  }
0x64: {  	s0 =	rddreg [dreg:$0x0];
	s2 =	stileid.u32  }
0x65: {  	s1 =	rddreg [dreg:$0x1];
	p0 =	sne.s32 s2, $0x0  }
0x66: {  	s3 =	rddreg [dreg:$0x2];
	[bflag:$0x3] =	sbarrier.arrive $0xFFFF;
	s2 =	simm.s32 @!p0 $0x1C02  }
0x67: {  	[timem:s3], [sflag:s2] =	dma.local @!p0 [hbm:s0], s1  }
0x68: {  	s0 =	simm.s32 @!p0 $0x2  }
0x69: {  	_ =	swait.ge @!p0 [sflag:s0], s1  }
0x6a: {  	s1 =	ssub.s32 @!p0 $0x0, s1;
	[sflag:s0] =	ssyncset.done @!p0 $0x0  }
0x6b: {  	[sflag:s0] =	ssyncadd.s32 @!p0 s1  }
0x6c: {  	[bflag:$0x3] =	sbarrier.arrive $0xFFFF  }
0x6d: {  	_ =	shalt  }

// kernel: kernel.9.cloned.1.call-start
scs
__scs_entry_jumppad:
0x0: {  	(pc) =	sbr.rel $0x88, $3  }
0x1: {  	(tag) =	ssettag $0x0;
	lr =	simm.s32 $0x1  }
0x2: {  	[smem:$0x3F9C] =	sst lr;
	_ =	strace $0xD0000000  }
0x3: {  	_ = 	snop  }
0x4: {  	_ = 	snop  }
0x5: {  	_ = 	snop  }
0x6: {  	_ = 	snop  }
0x7: {  	_ = 	snop  }
__scs_overlays_trampoline_lowered:
0x8: {  	[smem:$0x3FAB] =	sst s0  }
0x9: {  	[smem:$0x3FAC] =	sst s1  }
0xa: {  	[smem:$0x3FAD] =	sst s2  }
0xb: {  	[smem:$0x3FAE] =	sst s3  }
0xc: {  	[smem:$0x3FAF] =	sst s4  }
0xd: {  	[smem:$0x3FB0] =	sst s5  }
0xe: {  	[smem:$0x3FB1] =	sst s6  }
0xf: {  	[smem:$0x3FB2] =	sst s7  }
0x10: {  	[smem:$0x3FB3] =	sst s8  }
0x11: {  	[smem:$0x3FB4] =	sst s9;
	s0 =	simm.s32 @!p0 $0x0  }
0x12: {  	s1 =	sld [smem:$0x3F9A];
	s0 =	simm.s32 @p0 $0x1  }
0x13: {  	[smem:$0x3FB5] =	sst s0;
	s0 =	simm.s32 @!p1 $0x0  }
0x14: {  	s2 =	sld [smem:$0x3F99];
	s0 =	simm.s32 @p1 $0x1  }
0x15: {  	[smem:$0x3FB6] =	sst s0;
	s0 =	simm.s32 @!p2 $0x0  }
0x16: {  	s3 =	sld [smem:$0x3FDB];
	s0 =	simm.s32 @p2 $0x1  }
0x17: {  	s4 =	simm.s32 $0x1BF5;
	[smem:$0x3FB8] =	sst s0  }
0x18: {  	s0 =	sld [smem:$0x3F9B];
	_ =	swait.ge [sflag:s4], $0x0  }
0x19: {  	s7 =	sld [smem:$0x3F9C]  }
0x1a: {  	s8 =	sadd.s32 $0xFFFFE003, lr  }
0x1b: {  	s9 =	sadd.s32 $0xFFFFFEF7, lr;
	s5 =	simm.s32 $0xFFFFFFFF;
	p2 =	slt.u32 s8, $0xFFFFF086  }
0x1c: {  	p1 =	slt.u32 s9, $0xF7A;
	s5 =	simm.s32 @!p2 $0x0  }
0x1d: {  	s5 =	simm.s32 @p1 $0x1;
	p0 =	seq.s32 s7, s2  }
0x1e: {  	s7 =	smul.u32 @!p0 $0xF7A, s2;
	p2 =	seq.s32 @!p0 s5, $0x0  }
0x1f: {  	s9 =	smul.u32 $0xF7A, s1;
	s8 =	simm.s32 @!p0 $0x1BF5;
	p2 =	por !p2, p0  }
0x20: {  	[sflag:s8] =	ssyncset.s32 @!p0 $0xFFFFF086;
	s6 =	sadd.s32 @!p0 s3, s7;
	s7 =	simm.s32 @!p0 $0x108  }
0x21: {  	s3 =	sadd.s32 s3, s9;
	s6 =	sadd.s32 @!p0 $0x88, s6;
	s7 =	simm.s32 @p2 $0x1082  }
0x22: {  	[simem:s7], [sflag:s8] =	dma.local @!p0 [hbm:s6], $0xF7A  }
0x23: {  	s9 =	sor.u32 $0xD0000000, s2;
	s6 =	simm.s32 $0x108;
	_ =	swait.ge @!p0 [sflag:s8], $0x0  }
0x24: {  	s3 =	sadd.s32 $0x88, s3;
	s6 =	simm.s32 @!p1 $0x1082;
	[sflag:s4] =	ssyncset.s32 $0xFFFFF086  }
0x25: {  	[simem:s6], [sflag:s4] =	dma.local [hbm:s3], $0xF7A  }
0x26: {  	[smem:$0x3F9C] =	sst s1;
	(tag) =	ssettag s2;
	_ =	strace s9  }
0x27: {  	s1 =	sld [smem:$0x3FAC]  }
0x28: {  	s2 =	sld [smem:$0x3FAD]  }
0x29: {  	s4 =	sld [smem:$0x3FAF]  }
0x2a: {  	p0 =	seq.s32 s5, $0x0;
	s5 =	sld [smem:$0x3FB0]  }
0x2b: {  	s6 =	sld [smem:$0x3FB1]  }
0x2c: {  	s7 =	sld [smem:$0x3FB2]  }
0x2d: {  	s3 =	simm.s32 $0x108;
	s8 =	sld [smem:$0x3FB3]  }
0x2e: {  	s3 =	simm.s32 @!p0 $0x1082;
	s9 =	sld [smem:$0x3FB4]  }
0x2f: {  	lr =	sadd.s32 s0, s3;
	s0 =	sld [smem:$0x3FAB]  }
0x30: {  	s3 =	sld [smem:$0x3FAE]  }
0x31: {  	[smem:$0x3FB7] =	sst s10  }
0x32: {  	s10 =	sld [smem:$0x3FB5];
	_ =	sdelay $0x3  }
0x33: {  	p0 =	seq.s32 s10, $0x1;
	s10 =	sld [smem:$0x3FB7];
	_ =	sdelay $0x3  }
0x34: {  	[smem:$0x3FB7] =	sst s10  }
0x35: {  	s10 =	sld [smem:$0x3FB6];
	_ =	sdelay $0x3  }
0x36: {  	p1 =	seq.s32 s10, $0x1;
	s10 =	sld [smem:$0x3FB7];
	_ =	sdelay $0x3  }
0x37: {  	[smem:$0x3FB7] =	sst s10  }
0x38: {  	s10 =	sld [smem:$0x3FB8]  }
0x39: {  	_ = 	snop;
	(pc) =	sbr.ind lr, $3  }
0x3a: {  	_ = 	snop  }
0x3b: {  	_ = 	snop  }
0x3c: {  	p2 =	seq.s32 s10, $0x1;
	s10 =	sld [smem:$0x3FB7]  }
0x3d: {  	_ =	shalt  }
0x3e: {  	_ =	shalt  }
0x3f: {  	_ =	shalt  }
0x40: {  	_ =	shalt  }
0x41: {  	_ =	shalt  }
0x42: {  	_ =	shalt  }
0x43: {  	_ =	shalt  }
0x44: {  	_ =	shalt  }
0x45: {  	_ =	shalt  }
0x46: {  	_ =	shalt  }
0x47: {  	_ =	shalt  }
0x48: {  	_ =	shalt  }
0x49: {  	_ =	shalt  }
0x4a: {  	_ =	shalt  }
0x4b: {  	_ =	shalt  }
0x4c: {  	_ =	shalt  }
0x4d: {  	_ =	shalt  }
0x4e: {  	_ =	shalt  }
0x4f: {  	_ =	shalt  }
0x50: {  	_ =	shalt  }
0x51: {  	_ =	shalt  }
0x52: {  	_ =	shalt  }
0x53: {  	_ =	shalt  }
0x54: {  	_ =	shalt  }
0x55: {  	_ =	shalt  }
0x56: {  	_ =	shalt  }
0x57: {  	_ =	shalt  }
0x58: {  	_ =	shalt  }
0x59: {  	_ =	shalt  }
0x5a: {  	_ =	shalt  }
0x5b: {  	_ =	shalt  }
0x5c: {  	_ =	shalt  }
0x5d: {  	_ =	shalt  }
0x5e: {  	_ =	shalt  }
0x5f: {  	_ =	shalt  }
0x60: {  	_ =	shalt  }
0x61: {  	_ =	shalt  }
0x62: {  	_ =	shalt  }
0x63: {  	_ =	shalt  }
0x64: {  	_ =	shalt  }
0x65: {  	_ =	shalt  }
0x66: {  	_ =	shalt  }
0x67: {  	_ =	shalt  }
0x68: {  	_ =	shalt  }
0x69: {  	_ =	shalt  }
0x6a: {  	_ =	shalt  }
0x6b: {  	_ =	shalt  }
0x6c: {  	_ =	shalt  }
0x6d: {  	_ =	shalt  }
0x6e: {  	_ =	shalt  }
0x6f: {  	_ =	shalt  }
0x70: {  	_ =	shalt  }
0x71: {  	_ =	shalt  }
0x72: {  	_ =	shalt  }
0x73: {  	_ =	shalt  }
0x74: {  	_ =	shalt  }
0x75: {  	_ =	shalt  }
0x76: {  	_ =	shalt  }
0x77: {  	_ =	shalt  }
0x78: {  	_ =	shalt  }
0x79: {  	_ =	shalt  }
0x7a: {  	_ =	shalt  }
0x7b: {  	_ =	shalt  }
0x7c: {  	_ =	shalt  }
0x7d: {  	_ =	shalt  }
0x7e: {  	_ =	shalt  }
0x7f: {  	_ =	shalt  }
0x80: {  	_ =	shalt  }
0x81: {  	_ =	shalt  }
0x82: {  	_ =	shalt  }
0x83: {  	_ =	shalt  }
0x84: {  	_ =	shalt  }
0x85: {  	_ =	shalt  }
0x86: {  	_ =	shalt  }
0x87: {  	_ =	shalt  }
.Lfunc_end0:
.L_simem_size_0:
called_computation.1_lowered:
.L_overlay_start_0:
0x88: {  	s2 =	sld [smem:$0x3FD9]  }
0x89: {  	s3 =	sld [smem:$0x3FFE];
	_ =	sdelay $0x1  }
0x8a: {  	s1 =	srdreg.scid  }
0x8b: {  	s0 =	sand.u32 $0x1, s1  }
0x8c: {  	s17 =	sshll.u32 s0, $0xA;
	s2 =	sadd.s32 s3, s2  }
0x8d: {  	s2 =	sadd.s32 s2, s17  }
0x8e: {  	[smem:$0x3FC3] =	sst s2  }
0x8f: {  	_ = 	snop  }
0x90: {  	s2 =	sld [smem:$0x3FC9]  }
0x91: {  	s18 =	sld [smem:$0x3FD0];
	(tm) =	ssettm $0x1  }
0x92: {  	s4 =	sld [smem:$0x3FFB];
	_ =	sdelay $0x3  }
0x93: {  	_ =	strace s4  }
0x94: {  	s4 =	sld [smem:$0x3FFC];
	_ =	sdelay $0x3  }
0x95: {  	_ =	strace s4  }
0x96: {  	s4 =	sld [smem:$0x3FFD];
	_ =	sdelay $0x3  }
0x97: {  	_ =	strace s4  }
0x98: {  	_ =	strace $0x8FFFFFFF  }
0x99: {  	s19 =	sld [smem:$0x3FDB];
	_ =	sdelay $0x1  }
0x9a: {  	s5 =	simm.s32 $_scs_section_size  }
0x9b: {  	s6 =	simm.s32 $_size__tile_overlayer_lowered;
	s7 =	simm.s32 $_tile_overlayer_lowered  }
0x9c: {  	s22 =	simm.s32 $0x1BFF;
	s21 =	sshll.u32 s7, $0x1;
	s4 =	sadd.s32 s5, s19  }
0x9d: {  	s8 =	simm.s32 $0x0;
	s20 =	sshll.u32 s6, $0x1;
	s6 =	sadd.s32 s21, s4  }
0x9e: {  	[timem:s8], [sflag:s22] =	dma.local [hbm:s6], s20  }
0x9f: {  	_ =	swait.ge [sflag:s22], s20  }
0xa0: {  	s5 =	ssub.s32 $0x0, s20;
	[sflag:s22] =	ssyncset.done $0x0  }
0xa1: {  	[sflag:s22] =	ssyncadd.s32 s5;
	_ =	sdelay $0x1  }
0xa2: {  	s23 =	simm.s32 $0x1B8B  }
0xa3: {  	_ =	swait.ge [sflag:s23], $0x1  }
0xa4: {  	[sflag:s23] =	ssyncset.done $0x0  }
0xa5: {  	s25 =	simm.s32 $0x1B8E;
	s24 =	sld [smem:$0x3FFE];
	[sflag:s23] =	ssyncadd.s32 $0xFFFFFFFF  }
0xa6: {  	s26 =	simm.s32 $execute0_lowered;
	[smem:$0x3FD2] =	sst s25  }
0xa7: {  	s6 =	sshll.u32 s26, $0x1;
	_ =	strace $0x80000049;
	[dreg:$0x1] =	wrdreg $0xFFFFFFFF  }
0xa8: {  	s28 =	simm.s32 $_size_execute0_lowered;
	s4 =	sadd.s32 s4, s6;
	[dreg:$0x0] =	wrdreg $0x0  }
0xa9: {  	s6 =	sshll.u32 s28, $0x1;
	[dreg:$0x2] =	wrdreg s4  }
0xaa: {  	[dreg:$0x3] =	wrdreg s6  }
0xab: {  	[dreg:$0x4] =	wrdreg $0xC0  }
0xac: {  	_ =	task [dreg:s8], $0x5FFFF  }
0xad: {  	[dreg:$0x1] =	wrdreg $0xFFFFFFFF  }
0xae: {  	[dreg:$0x0] =	wrdreg $0x60  }
0xaf: {  	[dreg:$0x2] =	wrdreg s24  }
0xb0: {  	[dreg:$0x3] =	wrdreg s2  }
0xb1: {  	[dreg:$0x4] =	wrdreg s18  }
0xb2: {  	[dreg:$0x5] =	wrdreg $0x103000  }
0xb3: {  	[dreg:$0x6] =	wrdreg $0xB3000  }
0xb4: {  	[dreg:$0x7] =	wrdreg $0x9  }
0xb5: {  	_ =	task.clear_ibuf [dreg:s8], $0x8FFFF;
	_ =	strace $0x90000049  }
0xb6: {  	s29 =	simm.s32 $0x9;
	_ =	strace $0x8000004B  }
0xb7: {  	_ =	swait.ge [sflag:s29], $0x1  }
0xb8: {  	[sflag:s29] =	ssyncadd.s32 $0xFFFFFFFF  }
0xb9: {  	_ =	strace $0x9000004B  }
0xba: {  	_ =	sfence  }
0xbb: {  	s30 =	sld [smem:$0x0];
	_ =	sdelay $0x2  }
0xbc: {  	s31 =	sshll.u32 s1, $0xD;
	s1 =	sshrl.u32 s1, $0x2  }
0xbd: {  	s3 =	sand.u32 $0x4000, s31;
	s1 =	sadd.s32 s1, s30  }
0xbe: {  	s0 =	sor.u32 s3, s0;
	s1 =	sshll.u32 s1, $0x11  }
0xbf: {  	s0 =	sor.u32 s1, s0  }
0xc0: {  	s0 =	sadd.s32 $0x8F2B, s0  }
0xc1: {  	[sflag:s0] =	ssyncadd.remote.s32 $0x1  }
0xc2: {  	_ =	sfence.sel $0xFFFF  }
0xc3: {  	[dreg:$0x0] =	wrdreg $0xFFFFFFFF;
	(pc) =	sbr.abs _section_cstart, $3  }
0xc4: {  	[dreg:$0x1] =	wrdreg $0xFFFFFFFF  }
0xc5: {  	_ =	task.clear_ibuf [dreg:s8], $0x2FFFF;
	_ =	strace $0x9FFFFFFF  }
0xc6: {  	(tm) =	ssettm $0x7FFFFFFF  }
0xc7: {  	_ =	shalt  }
tec
execute0_lowered:
.L_overlay_start_1:
0x0: {  	(tag) =	ssettag $0x1  }
0x1: {  	s0 =	rddreg [dreg:$0x0]  }
0x2: {  	s5 =	rddreg [dreg:$0x1]  }
0x3: {  	s1 =	srdreg.scid;
	s6 =	rddreg [dreg:$0x2]  }
0x4: {  	s17 =	stileid.u32;
	s2 =	rddreg [dreg:$0x3]  }
0x5: {  	s28 =	simm.s32 $0x5100;
	s29 =	simm.s32 $0x1;
	s30 =	simm.s32 $0x80  }
0x6: {  	s31 =	simm.s32 $0x6100;
	s1 =	sand.u32 $0x1, s1;
	s8 =	smul.u32 $0x9C40, s17  }
0x7: {  	s11 =	sadd.s32 $0x16200, s0;
	s12 =	sadd.s32 $0x16800, s0;
	s18 =	sadd.s32 $0x20C00, s0  }
0x8: {  	s14 =	sadd.s32 $0x24C00, s0;
	s19 =	sshll.u32 s17, $0x6;
	s20 =	smul.u32 $0x14000, s17  }
0x9: {  	s15 =	sshll.u32 s17, $0x8;
	s3 =	sshll.u32 s1, $0x4;
	s16 =	ssub.s32 $0x2, s1  }
0xa: {  	p0 =	seq.s32 s1, $0x1;
	s24 =	sor.u32 $0x80, s15;
	s15 =	simm.s32 $0x3  }
0xb: {  	s4 =	sor.u32 s17, s3;
	s3 =	rddreg [dreg:$0x4];
	s10 =	sshrl.u32 s8, $0x4  }
0xc: {  	s13 =	sshrl.u32 s16, $0x1;
	s8 =	sshrl.u32 s8, $0x1;
	s21 =	sshrl.u32 s20, $0x2  }
0xd: {  	s26 =	sshll.u32 s24, $0x2;
	s7 =	smul.u32 $0x500, s4;
	s4 =	simm.s32 $0x0  }
0xe: {  	s10 =	sadd.s32 s10, s0;
	s13 =	ssub.s32 s16, s13;
	s8 =	sadd.s32 s8, s2  }
0xf: {  	s16 =	sshll.u32 s17, $0x5;
	s17 =	sshll.u32 s17, $0xA;
	[smem:$0x7FF] =	sst s4  }
0x10: {  	s10 =	sadd.s32 $0x16E00, s10;
	_ =	strace $0x8000004A;
	[dreg:$0x6] =	wrdreg s11  }
0x11: {  	s5 =	sadd.s32 s5, s16;
	s22 =	sadd.s32 s6, s17;
	[dreg:$0x7] =	wrdreg s12  }
0x12: {  	s23 =	sadd.s32 s18, s17;
	s25 =	sadd.s32 s14, s16;
	[dreg:$0x8] =	wrdreg s10  }
0x13: {  	s16 =	simm.s32 $0x2;
	s17 =	simm.s32 $0x9100;
	[dreg:$0xb] =	wrdreg s5  }
0x14: {  	s9 =	sadd.s32 s7, s0;
	s10 =	sor.u32 $0x1C01, s19;
	[dreg:$0xc] =	wrdreg s22  }
0x15: {  	s0 =	sadd.s32 $0xC200, s0;
	s11 =	sadd.s32 s21, s3;
	[dreg:$0xe] =	wrdreg s23  }
0x16: {  	s1 =	sadd.s32 $0x200, s22;
	[dreg:$0xf] =	wrdreg s25;
	s5 =	sadd.s32 s18, s26  }
0x17: {  	s18 =	smax.u32 s13, $0x1;
	s23 =	sshrl.u32 s8, $0x3;
	s25 =	simm.s32 $0x2800  }
0x18: {  	s26 =	simm.s32 $0x5000;
	s13 =	simm.s32 $0x0;
	[dreg:$0x9] =	wrdreg s10  }
.Ltmp0:
0x19: {  	s9 =	sadd.s32 $0x2200, s9;
	[dreg:$0xd] =	wrdreg s1;
	(pc) =	sbr.rel .LBB2_1-.Ltmp0, $4  }
0x1a: {  	s1 =	sshrl.u32 s24, $0x3;
	[dreg:$0x10] =	wrdreg s5;
	s19 =	sadd.s32 $0x1000, s11  }
0x1b: {  	s20 =	sadd.s32 $0x2000, s11;
	s21 =	sadd.s32 $0x3000, s11;
	s22 =	sadd.s32 $0x4000, s11  }
0x1c: {  	s24 =	sadd.s32 s7, s0;
	[dreg:$0xa] =	wrdreg s9;
	s1 =	sadd.s32 s14, s1  }
0x1d: {  	v0 =	vimm.bf16 $0.0e+00;
	s0 =	simm.s32 $0xA100;
	[dreg:$0x11] =	wrdreg s1;
	s1 =	simm.s32 $0x5080  }
.LBB2_9:
0x1e: {  	s5 =	rddreg [dreg:$0x6];
	s7 =	simm.s32 $0xB100  }
0x1f: {  	[tilespmem:s7], [sflag:$0x2] =	stream.indirect.gather [hbm4b:s5+s30], $0x1, s26, s30, $0xb8;
	[tilespmem:$0x15300] =	vst v63  }
0x20: {  	s6 =	rddreg [dreg:$0x7];
	s8 =	simm.s32 $0xB200  }
0x21: {  	[tilespmem:s8], [sflag:$0x2] =	stream.indirect.gather [hbm4b:s6+s30], $0x1, s26, s30, $0xb8;
	[tilespmem:$0x15300] =	vst v63  }
0x22: {  	s8 =	simm.s32 $0xB180  }
0x23: {  	[tilespmem:s8], [sflag:$0x2] =	stream.indirect.gather [hbm4b:s5+s30], $0x1, s1, s30, $0xb8;
	[tilespmem:$0x15300] =	vst v63  }
0x24: {  	s14 =	simm.s32 $0xB280  }
0x25: {  	[tilespmem:s14], [sflag:$0x2] =	stream.indirect.gather [hbm4b:s6+s30], $0x1, s1, s30, $0xb8;
	[tilespmem:$0x15300] =	vst v63  }
0x26: {  	_ =	swait.ge [sflag:s29], $0x1000  }
0x27: {  	[sflag:s29] =	ssyncset.done $0x0  }
0x28: {  	[sflag:s29] =	ssyncadd.s32 $0xFFFFF000  }
0x29: {  	_ =	swait.ge [sflag:s16], $0x80  }
0x2a: {  	[sflag:s16] =	ssyncset.done $0x0  }
0x2b: {  	[sflag:s16] =	ssyncadd.s32 $0xFFFFFF80  }
0x2c: {  	_ =	swait.ge [sflag:s16], $0x80  }
0x2d: {  	[sflag:s16] =	ssyncset.done $0x0  }
0x2e: {  	[sflag:s16] =	ssyncadd.s32 $0xFFFFFF80  }
0x2f: {  	_ =	swait.ge [sflag:s29], $0x1000  }
0x30: {  	[sflag:s29] =	ssyncset.done $0x0  }
0x31: {  	[sflag:s29] =	ssyncadd.s32 $0xFFFFF000  }
0x32: {  	_ =	swait.ge [sflag:s16], $0x80  }
0x33: {  	[sflag:s16] =	ssyncset.done $0x0  }
0x34: {  	[sflag:s16] =	ssyncadd.s32 $0xFFFFFF80  }
0x35: {  	_ =	swait.ge [sflag:s16], $0x80  }
0x36: {  	[sflag:s16] =	ssyncset.done $0x0  }
0x37: {  	[sflag:s16] =	ssyncadd.s32 $0xFFFFFF80  }
0x38: {  	v1 =	vld [tilespmem:$0xB100]  }
0x39: {  	v2 =	vld [tilespmem:$0xB200]  }
0x3a: {  	v3 =	vld [tilespmem:$0xB180]  }
0x3b: {  	v4 =	vld [tilespmem:$0xB280]  }
0x3c: {  	v5 =	vld [tilespmem:$0xB110]  }
0x3d: {  	v6 =	vld [tilespmem:$0xB210]  }
0x3e: {  	v7 =	vld [tilespmem:$0xB190]  }
0x3f: {  	v8 =	vld [tilespmem:$0xB290]  }
0x40: {  	v9 =	vld [tilespmem:$0xB120]  }
0x41: {  	v10 =	vld [tilespmem:$0xB220]  }
0x42: {  	v11 =	vld [tilespmem:$0xB1A0]  }
0x43: {  	v12 =	vld [tilespmem:$0xB2A0]  }
0x44: {  	v13 =	vld [tilespmem:$0xB130]  }
0x45: {  	v14 =	vld [tilespmem:$0xB230]  }
0x46: {  	v15 =	vld [tilespmem:$0xB1B0]  }
0x47: {  	v16 =	vld [tilespmem:$0xB2B0]  }
0x48: {  	v17 =	vld [tilespmem:$0xB140]  }
0x49: {  	v18 =	vld [tilespmem:$0xB240]  }
0x4a: {  	v19 =	vld [tilespmem:$0xB1C0]  }
0x4b: {  	v20 =	vld [tilespmem:$0xB2C0]  }
0x4c: {  	v21 =	vld [tilespmem:$0xB150]  }
0x4d: {  	v55 =	vld [tilespmem:$0xB1D0];
	v1 =	vadd.f32 v2, v1  }
0x4e: {  	v56 =	vld [tilespmem:$0xB2D0];
	v3 =	vadd.f32 v4, v3  }
0x4f: {  	v57 =	vld [tilespmem:$0xB160];
	[tilespmem:$0xB100] =	vst v1;
	v1 =	vadd.f32 v6, v5  }
0x50: {  	v58 =	vld [tilespmem:$0xB260];
	[tilespmem:$0xB180] =	vst v3;
	v3 =	vadd.f32 v8, v7  }
0x51: {  	v59 =	vld [tilespmem:$0xB1E0];
	[tilespmem:$0xB110] =	vst v1;
	v1 =	vadd.f32 v10, v9  }
0x52: {  	v2 =	vld [tilespmem:$0xB250];
	[tilespmem:$0xB190] =	vst v3;
	v3 =	vadd.f32 v12, v11  }
0x53: {  	v60 =	vld [tilespmem:$0xB2E0];
	[tilespmem:$0xB120] =	vst v1;
	v1 =	vadd.f32 v14, v13  }
0x54: {  	v61 =	vld [tilespmem:$0xB170];
	[tilespmem:$0xB1A0] =	vst v3;
	v3 =	vadd.f32 v16, v15  }
0x55: {  	v62 =	vld [tilespmem:$0xB270];
	[tilespmem:$0xB130] =	vst v1;
	v1 =	vadd.f32 v18, v17  }
0x56: {  	v63 =	vld [tilespmem:$0xB1F0];
	[tilespmem:$0xB1B0] =	vst v3;
	v3 =	vadd.f32 v20, v19  }
0x57: {  	[tilespmem:$0xB140] =	vst v1;
	v1 =	vadd.f32 v2, v21;
	v2 =	vld [tilespmem:$0xB2F0]  }
0x58: {  	[tilespmem:$0xB1C0] =	vst v3;
	v3 =	vadd.f32 v56, v55  }
0x59: {  	[tilespmem:$0xB150] =	vst v1;
	v1 =	vadd.f32 v58, v57  }
0x5a: {  	[tilespmem:$0xB1D0] =	vst v3;
	v3 =	vadd.f32 v60, v59  }
0x5b: {  	[tilespmem:$0xB160] =	vst v1;
	v1 =	vadd.f32 v62, v61  }
0x5c: {  	[tilespmem:$0xB1E0] =	vst v3;
	v2 =	vadd.f32 v2, v63  }
0x5d: {  	[tilespmem:$0xB170] =	vst v1  }
0x5e: {  	s9 =	rddreg [dreg:$0xe];
	[tilespmem:$0xB1F0] =	vst v2  }
0x5f: {  	[hbm4b:s9+s4] =	stream.linear.scatter [tilespmem:s17], [sflag:$0x3], $0x1000, $0x38;
	[tilespmem:$0x15300] =	vst v63  }
0x60: {  	_ =	swait.ge [sflag:s15], $0x1000  }
0x61: {  	[sflag:s15] =	ssyncset.done $0x0  }
0x62: {  	s10 =	rddreg [dreg:$0xf];
	[sflag:s15] =	ssyncadd.s32 $0xFFFFF000  }
0x63: {  	[hbm4b:s10+s4] =	stream.linear.scatter [tilespmem:s7], [sflag:$0x3], $0x80, $0x38;
	[tilespmem:$0x15300] =	vst v63  }
0x64: {  	_ =	swait.ge [sflag:s15], $0x80  }
0x65: {  	[sflag:s15] =	ssyncset.done $0x0  }
0x66: {  	s12 =	rddreg [dreg:$0x10];
	[sflag:s15] =	ssyncadd.s32 $0xFFFFFF80  }
0x67: {  	[hbm4b:s12+s4] =	stream.linear.scatter [tilespmem:s0], [sflag:$0x3], $0x1000, $0x38;
	[tilespmem:$0x15300] =	vst v63  }
0x68: {  	_ =	swait.ge [sflag:s15], $0x1000  }
0x69: {  	[sflag:s15] =	ssyncset.done $0x0  }
0x6a: {  	s14 =	rddreg [dreg:$0x11];
	[sflag:s15] =	ssyncadd.s32 $0xFFFFF000  }
0x6b: {  	[hbm4b:s14+s4] =	stream.linear.scatter [tilespmem:s8], [sflag:$0x3], $0x80, $0x38;
	[tilespmem:$0x15300] =	vst v63  }
0x6c: {  	_ =	swait.ge [sflag:s15], $0x80  }
0x6d: {  	[sflag:s15] =	ssyncset.done $0x0  }
0x6e: {  	[sflag:s15] =	ssyncadd.s32 $0xFFFFFF80  }
.LBB2_10:
0x6f: {  	s13 =	sadd.s32 $0x1, s13  }
0x70: {  	p1 =	sne.s32 s13, s18  }
.Ltmp1:
0x71: {  	_ = 	snop;
	(pc) =	sbr.rel @!p1 .LBB2_11-.Ltmp1, $1  }
0x72: {  	_ =	sdelay $0x3  }
.LBB2_1:
0x73: {  	s5 =	simm.s32 $0x80;
	s6 =	simm.s32 $0x0  }
.LBB2_2:
0x74: {  	p1 =	sne.s32 s5, $0x3F80;
	[tilespmem:s6+$0x5100] =	vst v0;
	s7 =	smov.u32 s5;
	s5 =	sadd.s32 $0x80, s5  }
.Ltmp2:
0x75: {  	[tilespmem:s6+$0x5110] =	vst v0;
	(pc) =	sbr.rel @p1 .LBB2_2-.Ltmp2, $2  }
0x76: {  	_ =	sdelay $0x2  }
0x77: {  	s6 =	sshra.s32 s7, $0x2  }
0x78: {  	[tilespmem:s6+$0x5100] =	vst v0;
	s5 =	rddreg [dreg:$0x8]  }
0x79: {  	[tilespmem:s6+$0x5110] =	vst v0;
	s8 =	rddreg [dreg:$0x9]  }
0x7a: {  	[spmem:s23], [sflag:s8] =	dma.local [hbm:s5], $0x9C4  }
0x7b: {  	s5 =	rddreg [dreg:$0xa]  }
0x7c: {  	[tilespmem:s4], [sflag:$0x1] =	stream.linear.gather [hbm4b:s5+s4], $0x2800, $0x38;
	[tilespmem:$0x15300] =	vst v63  }
0x7d: {  	_ = 	snop  }
0x7e: {  	[tilespmem:s25], [sflag:$0x1] =	stream.linear.gather [hbm4b:s24+s4], $0x2800, $0x38;
	[tilespmem:$0x15300] =	vst v63  }
0x7f: {  	s9 =	rddreg [dreg:$0xb]  }
0x80: {  	[tilespmem:s26], [sflag:$0x1] =	stream.linear.gather [hbm4b:s9+s4], $0x100, $0x38;
	[tilespmem:$0x15300] =	vst v63  }
0x81: {  	_ = 	snop  }
0x82: {  	[spmem:s11] =	stream.linear.scatter [tilespmem:s28], [sflag:$0x2], $0x1000, $0x38;
	[tilespmem:$0x15300] =	vst v63  }
0x83: {  	_ = 	snop  }
0x84: {  	[spmem:s19] =	stream.linear.scatter [tilespmem:s28], [sflag:$0x2], $0x1000, $0x38;
	[tilespmem:$0x15300] =	vst v63  }
0x85: {  	_ = 	snop  }
0x86: {  	[spmem:s20] =	stream.linear.scatter [tilespmem:s28], [sflag:$0x2], $0x1000, $0x38;
	[tilespmem:$0x15300] =	vst v63  }
0x87: {  	s10 =	simm.s32 $0x2  }
0x88: {  	[spmem:s21] =	stream.linear.scatter [tilespmem:s28], [sflag:$0x2], $0x1000, $0x38;
	[tilespmem:$0x15300] =	vst v63  }
0x89: {  	_ =	swait.ge [sflag:s10], $0x1000  }
0x8a: {  	[sflag:s10] =	ssyncset.done $0x0  }
0x8b: {  	[sflag:s10] =	ssyncadd.s32 $0xFFFFF000  }
0x8c: {  	[spmem:s22] =	stream.linear.scatter [tilespmem:s28], [sflag:$0x2], $0x1000, $0x38;
	[tilespmem:$0x15300] =	vst v63  }
0x8d: {  	_ =	swait.ge [sflag:s10], $0x1000  }
0x8e: {  	[sflag:s10] =	ssyncset.done $0x0  }
0x8f: {  	[sflag:s10] =	ssyncadd.s32 $0xFFFFF000  }
0x90: {  	_ =	swait.ge [sflag:s29], $0x9C4  }
0x91: {  	[sflag:s29] =	ssyncset.done $0x0  }
0x92: {  	[sflag:s29] =	ssyncadd.s32 $0xFFFFF63C  }
0x93: {  	_ =	swait.ge [sflag:s29], $0x2800  }
0x94: {  	[sflag:s29] =	ssyncset.done $0x0  }
0x95: {  	[sflag:s29] =	ssyncadd.s32 $0xFFFFD800  }
0x96: {  	_ =	swait.ge [sflag:s29], $0x2800  }
0x97: {  	[sflag:s29] =	ssyncset.done $0x0  }
0x98: {  	[sflag:s29] =	ssyncadd.s32 $0xFFFFD800  }
0x99: {  	_ =	swait.ge [sflag:s29], $0x100  }
0x9a: {  	[sflag:s29] =	ssyncset.done $0x0  }
0x9b: {  	[sflag:s29] =	ssyncadd.s32 $0xFFFFFF00  }
0x9c: {  	_ =	swait.ge [sflag:s10], $0x1000  }
0x9d: {  	[sflag:s10] =	ssyncset.done $0x0  }
0x9e: {  	[sflag:s10] =	ssyncadd.s32 $0xFFFFF000  }
0x9f: {  	_ =	swait.ge [sflag:s10], $0x1000  }
0xa0: {  	[sflag:s10] =	ssyncset.done $0x0  }
0xa1: {  	[sflag:s10] =	ssyncadd.s32 $0xFFFFF000  }
0xa2: {  	_ =	swait.ge [sflag:s10], $0x1000  }
0xa3: {  	[sflag:s10] =	ssyncset.done $0x0  }
0xa4: {  	[sflag:s10] =	ssyncadd.s32 $0xFFFFF000  }
0xa5: {  	[bflag:$0x0] =	sbarrier.arrive $0xFFFF  }
0xa6: {  	[tilespmem:s28], [sflag:$0x1] =	stream.indirect.gather [spmem:s2], $0x20, s4, s30, $0xb8;
	[tilespmem:$0x15300] =	vst v63  }
0xa7: {  	_ = 	snop  }
0xa8: {  	[tilespmem:s31], [sflag:$0x1] =	stream.indirect.gather [spmem:s2], $0x20, s30, s30, $0xb8;
	[tilespmem:$0x15300] =	vst v63  }
0xa9: {  	s12 =	simm.s32 $0x100;
	s14 =	simm.s32 $0x7100  }
0xaa: {  	[tilespmem:s14], [sflag:$0x1] =	stream.indirect.gather [spmem:s2], $0x20, s12, s30, $0xb8;
	[tilespmem:$0x15300] =	vst v63  }
0xab: {  	_ =	swait.ge [sflag:s29], $0x1000  }
0xac: {  	[sflag:s29] =	ssyncset.done $0x0  }
0xad: {  	[sflag:s29] =	ssyncadd.s32 $0xFFFFF000  }
0xae: {  	[spmem:s3] =	stream.indirect.scatter.add.bf16 [tilespmem:s28], [sflag:$0x2], $0x20, s25, s30, $0xb8;
	[tilespmem:$0x15300] =	vst v63  }
0xaf: {  	s7 =	simm.s32 $0x180;
	s8 =	simm.s32 $0x8100  }
0xb0: {  	[tilespmem:s8], [sflag:$0x1] =	stream.indirect.gather [spmem:s2], $0x20, s7, s30, $0xb8;
	[tilespmem:$0x15300] =	vst v63  }
0xb1: {  	p1 =	por $0x0, $0x0;
	s5 =	simm.s32 $0x10000;
	_ =	swait.ge [sflag:s29], $0x1000  }
0xb2: {  	s5 =	sand.u32 @!p1 $0xC000, s5;
	[sflag:s29] =	ssyncset.done $0x0  }
0xb3: {  	s5 =	sshrl.u32 @!p1 s5, $0x2;
	s9 =	simm.s32 $0x2880;
	[sflag:s29] =	ssyncadd.s32 $0xFFFFF000  }
0xb4: {  	[spmem:s3] =	stream.indirect.scatter.add.bf16 [tilespmem:s31], [sflag:$0x2], $0x20, s9, s30, $0xb8;
	[tilespmem:$0x15300] =	vst v63  }
0xb5: {  	s6 =	simm.s32 $0x200;
	s5 =	sadd.s32 @!p1 $0x5100, s5;
	_ =	swait.ge [sflag:s16], $0x1000  }
0xb6: {  	s12 =	simm.s32 $0x2900;
	s7 =	simm.s32 $0x8000;
	[sflag:s16] =	ssyncset.done $0x0  }
0xb7: {  	s8 =	simm.s32 @!p1 $0x80;
	s10 =	sand.u32 $0xC000, s7;
	[sflag:s16] =	ssyncadd.s32 $0xFFFFF000  }
0xb8: {  	[tilespmem:s5], [sflag:$0x1] =	stream.indirect.gather @!p1 [spmem:s2], $0x20, s6, s8, $0xb8;
	[tilespmem:$0x15300] =	vst v63  }
0xb9: {  	s14 =	simm.s32 $0x3;
	s7 =	sshrl.u32 s10, $0x2;
	_ =	swait.ge [sflag:s29], $0x1000  }
0xba: {  	s5 =	simm.s32 $0x280;
	s6 =	simm.s32 $0x14000;
	[sflag:s29] =	ssyncset.done $0x0  }
0xbb: {  	s8 =	sadd.s32 $0x5100, s7;
	s7 =	simm.s32 $0x2980;
	[sflag:s29] =	ssyncadd.s32 $0xFFFFF000  }
.LBB2_4:
0xbc: {  	[spmem:s3] =	stream.indirect.scatter.add.bf16 [tilespmem:s8], [sflag:$0x2], $0x20, s12, s30, $0xb8;
	[tilespmem:$0x15300] =	vst v63  }
0xbd: {  	s12 =	smov.u32 s7  }
0xbe: {  	p2 =	sgt.u32 s14, $0x4D;
	s14 =	sadd.s32 $0x1, s14;
	_ =	swait.ge [sflag:s16], $0x1000  }
0xbf: {  	s8 =	sand.u32 @!p2 $0xC000, s6;
	p1 =	sne.s32 s14, $0x50;
	[sflag:s16] =	ssyncset.done $0x0  }
0xc0: {  	s9 =	sadd.s32 $0xFFFF8000, s6;
	s8 =	sshrl.u32 @!p2 s8, $0x2;
	[sflag:s16] =	ssyncadd.s32 $0xFFFFF000  }
.Ltmp3:
0xc1: {  	s10 =	simm.s32 @!p2 $0x80;
	s8 =	sadd.s32 @!p2 $0x5100, s8;
	(pc) =	sbr.rel @p1 .LBB2_4-.Ltmp3, $4  }
0xc2: {  	[tilespmem:s8], [sflag:$0x1] =	stream.indirect.gather @!p2 [spmem:s2], $0x20, s5, s10, $0xb8;
	[tilespmem:$0x15300] =	vst v63  }
0xc3: {  	s8 =	sand.u32 $0xC000, s9;
	s5 =	sadd.s32 $0x80, s5;
	_ =	swait.ge [sflag:s29], $0x1000  }
0xc4: {  	s6 =	sadd.s32 $0x4000, s6;
	s8 =	sshrl.u32 s8, $0x2;
	[sflag:s29] =	ssyncset.done $0x0  }
0xc5: {  	s7 =	sadd.s32 $0x80, s7;
	s8 =	sadd.s32 $0x5100, s8;
	[sflag:s29] =	ssyncadd.s32 $0xFFFFF000  }
0xc6: {  	[spmem:s3] =	stream.indirect.scatter.add.bf16 [tilespmem:s8], [sflag:$0x2], $0x20, s12, s30, $0xb8;
	[tilespmem:$0x15300] =	vst v63  }
0xc7: {  	_ =	swait.ge [sflag:s16], $0x1000  }
0xc8: {  	[sflag:s16] =	ssyncset.done $0x0  }
0xc9: {  	[sflag:s16] =	ssyncadd.s32 $0xFFFFF000  }
0xca: {  	_ =	swait.ge [sflag:s16], $0x1000  }
0xcb: {  	[sflag:s16] =	ssyncset.done $0x0  }
.Ltmp4:
0xcc: {  	[sflag:s16] =	ssyncadd.s32 $0xFFFFF000;
	(pc) =	sbr.rel @p0 .LBB2_9-.Ltmp4, $4  }
0xcd: {  	[bflag:$0x0] =	sbarrier.arrive $0xFFFF  }
0xce: {  	[tilespmem:s17], [sflag:$0x1] =	stream.indirect.gather [spmem:s3], $0x20, s26, s30, $0xb8;
	[tilespmem:$0x15300] =	vst v63  }
0xcf: {  	_ = 	snop  }
0xd0: {  	[tilespmem:s0], [sflag:$0x1] =	stream.indirect.gather [spmem:s3], $0x20, s1, s30, $0xb8;
	[tilespmem:$0x15300] =	vst v63  }
0xd1: {  	[tilespmem:s28], [sflag:$0x1] =	stream.indirect.gather [spmem:s2], $0x20, s26, s30, $0xb8;
	[tilespmem:$0x15300] =	vst v63  }
0xd2: {  	_ = 	snop  }
0xd3: {  	[tilespmem:s31], [sflag:$0x1] =	stream.indirect.gather [spmem:s2], $0x20, s1, s30, $0xb8;
	[tilespmem:$0x15300] =	vst v63  }
0xd4: {  	_ =	swait.ge [sflag:s29], $0x1000  }
0xd5: {  	[sflag:s29] =	ssyncset.done $0x0  }
0xd6: {  	[sflag:s29] =	ssyncadd.s32 $0xFFFFF000  }
0xd7: {  	_ =	swait.ge [sflag:s29], $0x1000  }
0xd8: {  	[sflag:s29] =	ssyncset.done $0x0  }
0xd9: {  	[sflag:s29] =	ssyncadd.s32 $0xFFFFF000  }
0xda: {  	_ =	swait.ge [sflag:s29], $0x1000  }
0xdb: {  	[sflag:s29] =	ssyncset.done $0x0  }
0xdc: {  	[sflag:s29] =	ssyncadd.s32 $0xFFFFF000  }
0xdd: {  	_ =	swait.ge [sflag:s29], $0x1000  }
0xde: {  	[sflag:s29] =	ssyncset.done $0x0  }
0xdf: {  	s12 =	simm.s32 $0x0;
	[sflag:s29] =	ssyncadd.s32 $0xFFFFF000  }
0xe0: {  	v6 =	vld [tilespmem:s12+$0x5100]  }
0xe1: {  	v7 =	vld [tilespmem:s12+$0x5110]  }
0xe2: {  	v2 =	vld [tilespmem:s12+$0x6100]  }
0xe3: {  	v1 =	vld [tilespmem:s12+$0x6110]  }
0xe4: {  	v3 =	vld [tilespmem:s12+$0x9100]  }
0xe5: {  	v5 =	vld [tilespmem:s12+$0x9110]  }
0xe6: {  	s5 =	simm.s32 $0x80;
	v4 =	vld [tilespmem:s12+$0xA100]  }
.LBB2_7:
0xe7: {  	s6 =	sshra.s32 s5, $0x2;
	p1 =	sne.s32 s5, $0x3F80;
	v8 =	vld [tilespmem:s12+$0xA110];
	v9 =	vmov v2  }
0xe8: {  	v10 =	vld [tilespmem:s6+$0x5100];
	v11 =	vmov v1  }
0xe9: {  	v12 =	vld [tilespmem:s6+$0x5110];
	v3 =	vadd.bf16 v6, v3  }
.Ltmp5:
0xea: {  	v2 =	vld [tilespmem:s6+$0x6100];
	v5 =	vadd.bf16 v7, v5;
	(pc) =	sbr.rel @p1 .LBB2_7-.Ltmp5, $4  }
0xeb: {  	v1 =	vld [tilespmem:s6+$0x6110];
	[tilespmem:s12+$0x9100] =	vst v3;
	v4 =	vadd.bf16 v9, v4  }
0xec: {  	v3 =	vld [tilespmem:s6+$0x9100];
	[tilespmem:s12+$0x9110] =	vst v5;
	v8 =	vadd.bf16 v11, v8  }
0xed: {  	v5 =	vld [tilespmem:s6+$0x9110];
	[tilespmem:s12+$0xA100] =	vst v4;
	v6 =	vmov v10  }
0xee: {  	s5 =	sadd.s32 $0x80, s5;
	v4 =	vld [tilespmem:s6+$0xA100];
	[tilespmem:s12+$0xA110] =	vst v8;
	v7 =	vmov v12;
	s12 =	smov.u32 s6  }
0xef: {  	v8 =	vld [tilespmem:s12+$0xA110];
	_ =	sdelay $0x1  }
0xf0: {  	v3 =	vadd.bf16 v6, v3  }
0xf1: {  	v5 =	vadd.bf16 v7, v5  }
0xf2: {  	[tilespmem:s12+$0x9100] =	vst v3;
	v2 =	vadd.bf16 v2, v4  }
0xf3: {  	[tilespmem:s12+$0x9110] =	vst v5;
	v1 =	vadd.bf16 v1, v8  }
0xf4: {  	[tilespmem:s12+$0xA100] =	vst v2  }
0xf5: {  	s5 =	rddreg [dreg:$0xc];
	[tilespmem:s12+$0xA110] =	vst v1  }
0xf6: {  	[hbm4b:s5+s4] =	stream.linear.scatter [tilespmem:s17], [sflag:$0x3], $0x1000, $0x38;
	[tilespmem:$0x15300] =	vst v63  }
0xf7: {  	_ =	swait.ge [sflag:s15], $0x1000  }
0xf8: {  	[sflag:s15] =	ssyncset.done $0x0  }
.Ltmp6:
0xf9: {  	s14 =	rddreg [dreg:$0xd];
	[sflag:s15] =	ssyncadd.s32 $0xFFFFF000;
	(pc) =	sbr.rel .LBB2_10-.Ltmp6, $4  }
0xfa: {  	[hbm4b:s14+s4] =	stream.linear.scatter [tilespmem:s0], [sflag:$0x3], $0x1000, $0x38;
	[tilespmem:$0x15300] =	vst v63  }
0xfb: {  	_ =	swait.ge [sflag:s15], $0x1000  }
0xfc: {  	[sflag:s15] =	ssyncset.done $0x0  }
0xfd: {  	[sflag:s15] =	ssyncadd.s32 $0xFFFFF000  }
.LBB2_11:
0xfe: {  	_ =	sfence.sel $0x180000  }
0xff: {  	[bflag:$0x0] =	sbarrier.arrive $0xFFFF  }
0x100: {  	_ =	strace $0x9000004A  }
0x101: {  	s0 =	stileid.u32;
	[bflag:$0x2] =	sbarrier.arrive $0xFFFF  }
0x102: {  	p0 =	sne.s32 s0, $0x0;
	s0 =	rddreg [dreg:$0x5]  }
0x103: {  	s0 =	sadd.s32 @!p0 $0x100000, s0  }
0x104: {  	[sflag:s0] =	ssyncadd.tile.s32 @!p0 $0x1;
	_ =	shalt  }
.Lfunc_end2:
_tile_overlayer_lowered:
.L_overlay_start_2:
0x105: {  	(tag) =	ssettag $0x2  }
0x106: {  	s0 =	rddreg [dreg:$0x0];
	s2 =	stileid.u32  }
0x107: {  	s1 =	rddreg [dreg:$0x1];
	p0 =	sne.s32 s2, $0x0  }
0x108: {  	s3 =	rddreg [dreg:$0x2];
	[bflag:$0x3] =	sbarrier.arrive $0xFFFF;
	s2 =	simm.s32 @!p0 $0x1C03  }
0x109: {  	[timem:s3], [sflag:s2] =	dma.local @!p0 [hbm:s0], s1  }
0x10a: {  	s0 =	simm.s32 @!p0 $0x3  }
0x10b: {  	_ =	swait.ge @!p0 [sflag:s0], s1  }
0x10c: {  	s1 =	ssub.s32 @!p0 $0x0, s1;
	[sflag:s0] =	ssyncset.done @!p0 $0x0  }
0x10d: {  	[sflag:s0] =	ssyncadd.s32 @!p0 s1  }
0x10e: {  	[bflag:$0x3] =	sbarrier.arrive $0xFFFF  }
0x10f: {  	_ =	shalt  }

</sc_bundles>
